<compile_context>
chip_gen: v7x
topology: tpu7x:2x2x1
jax: 0.10.2.dev20260603
libtpu: 0.0.44.dev20260713+nightly
codegen_flags: <defaults>
</compile_context>

<pallas_src>
import functools

import jax
import jax.numpy as jnp
from jax import lax
from jax.experimental import pallas as pl
from jax.experimental.pallas import tpu as pltpu
from jax.experimental.pallas import tpu_sc as plsc

N_USER = 10000
N_ITEM = 10000
E = 320000
D = 128
OUT = 16

NC = 2
NS = 16
NW = NC * NS
EPW = E // NW
CHUNK = 128
NCH = 80
EPW_PAD = NCH * CHUNK
CPS = 40
ACC_ROWS = 10240
STRIPE = ACC_ROWS // NS
TRASH = N_USER
LAST_ROWS = N_USER - (NS - 1) * STRIPE



def _tc1_body(xu, xi, wf, wc, wcb, bf, bc, bcb, of, oc, ocb):
    u = xu[...]
    of[...] = jnp.dot(u, wf[...], preferred_element_type=jnp.float32) + bf[...]
    oc[...] = jnp.dot(u, wc[...], preferred_element_type=jnp.float32) + bc[...]
    ocb[...] = jnp.dot(xi[...], wcb[...], preferred_element_type=jnp.float32) + bcb[...]


def _tc2_body(af, ac, acb, wf, wc, wcb, bf, bc, bcb, of, oc, ocb):
    a_f = af[0] + af[1]
    a_c = ac[0] + ac[1]
    a_cb = acb[0] + acb[1]
    h_user = jnp.maximum(jnp.maximum(a_f, 0.0) + a_cb, 0.0)
    h_item = jnp.maximum(a_c, 0.0)
    of[...] = jnp.dot(h_user, wf[...], preferred_element_type=jnp.float32) + bf[...]
    oc[...] = jnp.dot(h_user, wc[...], preferred_element_type=jnp.float32) + bc[...]
    ocb[...] = jnp.dot(h_item, wcb[...], preferred_element_type=jnp.float32) + bcb[...]


def _tc3_body(af, ac, acb, ou, oi):
    a_f = af[0] + af[1]
    a_c = ac[0] + ac[1]
    a_cb = acb[0] + acb[1]
    ou[...] = jnp.maximum(jnp.maximum(a_f, 0.0) + a_cb, 0.0)
    oi[...] = jnp.maximum(a_c, 0.0)


_RB = 2000
_FB = 1250


def _tc1(xu, xi, wf, wc, wcb, bf, bc, bcb):
    row = pl.BlockSpec((_RB, D), lambda i: (i, 0))
    wsp = pl.BlockSpec((D, D), lambda i: (0, 0))
    bsp = pl.BlockSpec((1, D), lambda i: (0, 0))
    return pl.pallas_call(
        _tc1_body,
        grid=(N_USER // _RB,),
        in_specs=[row, row, wsp, wsp, wsp, bsp, bsp, bsp],
        out_specs=[row, row, row],
        out_shape=[jax.ShapeDtypeStruct((N_USER, D), jnp.float32)] * 3,
    )(xu, xi, wf, wc, wcb, bf.reshape(1, D), bc.reshape(1, D), bcb.reshape(1, D))


def _tc2(af, ac, acb, wf, wc, wcb, bf, bc, bcb):
    agg = pl.BlockSpec((2, _RB, D), lambda i: (0, i, 0))
    wsp = pl.BlockSpec((D, OUT), lambda i: (0, 0))
    bsp = pl.BlockSpec((1, OUT), lambda i: (0, 0))
    orow = pl.BlockSpec((_RB, OUT), lambda i: (i, 0))
    return pl.pallas_call(
        _tc2_body,
        grid=(N_USER // _RB,),
        in_specs=[agg, agg, agg, wsp, wsp, wsp, bsp, bsp, bsp],
        out_specs=[orow, orow, orow],
        out_shape=[jax.ShapeDtypeStruct((N_USER, OUT), jnp.float32)] * 3,
    )(af, ac, acb, wf, wc, wcb, bf.reshape(1, OUT), bc.reshape(1, OUT),
      bcb.reshape(1, OUT))


def _tc3(af, ac, acb):
    a3 = [x.reshape(2, _FB, D) for x in (af, ac, acb)]
    full = pl.BlockSpec((2, _FB, D), lambda: (0, 0, 0))
    ofull = pl.BlockSpec((_FB, D), lambda: (0, 0))
    ou, oi = pl.pallas_call(
        _tc3_body,
        in_specs=[full, full, full],
        out_specs=[ofull, ofull],
        out_shape=[jax.ShapeDtypeStruct((_FB, D), jnp.float32)] * 2,
    )(*a3)
    return ou.reshape(N_USER, OUT), oi.reshape(N_ITEM, OUT)






def _make_agg(d_model):
    mesh = plsc.VectorSubcoreMesh(core_axis_name="c", subcore_axis_name="s")
    out_t = jax.ShapeDtypeStruct((NC, N_USER, d_model), jnp.float32)

    @functools.partial(
        pl.kernel,
        mesh=mesh,
        out_type=[out_t, out_t, out_t],
        compiler_params=pltpu.CompilerParams(use_tc_tiling_on_sc=False),
        scratch_types=[
            pltpu.VMEM_SHARED((ACC_ROWS, d_model), jnp.float32),
            pltpu.VMEM((EPW_PAD,), jnp.int32),
            pltpu.VMEM((NCH, CHUNK), jnp.int32),
            pltpu.VMEM((CHUNK, d_model), jnp.float32),
            pltpu.SemaphoreType.DMA,
        ],
    )
    def agg(src_f, dst_f, msg_f, src_c, dst_c, msg_c, src_cb, dst_cb, msg_cb,
            zeros_h, out_f, out_c, out_cb, acc, src_v, dst_v, rows_v, sem):
        c = lax.axis_index("c")
        s = lax.axis_index("s")
        w = c * NS + s
        for src_h, dst_h, msg_h, out_h in (
                (src_f, dst_f, msg_f, out_f),
                (src_c, dst_c, msg_c, out_c),
                (src_cb, dst_cb, msg_cb, out_cb)):
            pltpu.sync_copy(zeros_h, acc.at[pl.ds(s * STRIPE, STRIPE)])
            plsc.subcore_barrier()
            pltpu.sync_copy(src_h.at[w], src_v)
            pltpu.sync_copy(dst_h.at[w], dst_v)

            def chunk(g, carry):
                idx = src_v.at[pl.ds(g * CHUNK, CHUNK)]
                pltpu.async_copy(msg_h.at[idx], rows_v, sem).wait()
                pltpu.sync_copy(rows_v, acc.at[dst_v.at[g]], add=True)
                return carry

            lax.fori_loop(0, NCH, chunk, 0)
            plsc.subcore_barrier()

            @pl.when(s < NS - 1)
            def _copy_full():
                pltpu.sync_copy(acc.at[pl.ds(s * STRIPE, STRIPE)],
                                out_h.at[c, pl.ds(s * STRIPE, STRIPE)])

            @pl.when(s == NS - 1)
            def _copy_tail():
                pltpu.sync_copy(
                    acc.at[pl.ds((NS - 1) * STRIPE, LAST_ROWS)],
                    out_h.at[c, pl.ds((NS - 1) * STRIPE, LAST_ROWS)])

    return agg


_agg1 = _make_agg(D)
_agg2 = _make_agg(OUT)


def _prep_edges(edges):
    src = edges[0].reshape(NW, EPW)
    dst = edges[1].reshape(NW, EPW)
    pad = EPW_PAD - EPW
    src_p = jnp.concatenate(
        [src, jnp.zeros((NW, pad), jnp.int32)], axis=1)
    dst_p = jnp.concatenate(
        [dst, jnp.full((NW, pad), TRASH, jnp.int32)], axis=1)
    return src_p, dst_p.reshape(NW, NCH, CHUNK)



def kernel(edges_follows, edges_clicks, edges_clicked_by, emb_user, emb_item,
           w1_follows, b1_follows, w1_clicks, b1_clicks, w1_clicked_by,
           b1_clicked_by, w2_follows, b2_follows, w2_clicks, b2_clicks,
           w2_clicked_by, b2_clicked_by):
    sf, df = _prep_edges(edges_follows)
    sc, dc = _prep_edges(edges_clicks)
    scb, dcb = _prep_edges(edges_clicked_by)

    msg_f, msg_c, msg_cb = _tc1(emb_user, emb_item, w1_follows, w1_clicks,
                                w1_clicked_by, b1_follows, b1_clicks,
                                b1_clicked_by)

    z128 = jnp.zeros((STRIPE, D), jnp.float32)
    agg_f, agg_c, agg_cb = _agg1(sf, df, msg_f, sc, dc, msg_c,
                                 scb, dcb, msg_cb, z128)

    msg2_f, msg2_c, msg2_cb = _tc2(agg_f, agg_c, agg_cb, w2_follows,
                                   w2_clicks, w2_clicked_by, b2_follows,
                                   b2_clicks, b2_clicked_by)

    z16 = jnp.zeros((STRIPE, OUT), jnp.float32)
    agg2_f, agg2_c, agg2_cb = _agg2(sf, df, msg2_f, sc, dc, msg2_c,
                                    scb, dcb, msg2_cb, z16)

    return _tc3(agg2_f, agg2_c, agg2_cb)

# --- scband reference (transcript-rebuilt; emitter-appended) ---
"""Pipeline reference for scband-entity-classify-26577257628123 (READ-ONLY COPY).

The authoritative reference and input builder live on the scoring server;
editing this copy changes nothing except your own understanding.
"""

import jax, jax.numpy as jnp
import numpy as np

N_USER = 10000
N_ITEM = 10000
E = 320000
D = 128
OUT = 16


def setup_inputs(seed: int = 0) -> dict:
    key = jax.random.key(seed)
    ks = jax.random.split(key, 24)
    inp = {}
    # hetero sparse adjacency A[rel] represented as COO edge lists [2, E] with implicit values=1
    # rel order as iterated in forward: (user,follows,user), (user,clicks,item), (item,clicked_by,user)
    inp["edges_follows"] = jnp.stack([
        jax.random.randint(ks[0], (E,), 0, N_USER, dtype=jnp.int32),
        jax.random.randint(ks[1], (E,), 0, N_USER, dtype=jnp.int32)])
    inp["edges_clicks"] = jnp.stack([
        jax.random.randint(ks[2], (E,), 0, N_USER, dtype=jnp.int32),
        jax.random.randint(ks[3], (E,), 0, N_ITEM, dtype=jnp.int32)])
    inp["edges_clicked_by"] = jnp.stack([
        jax.random.randint(ks[4], (E,), 0, N_ITEM, dtype=jnp.int32),
        jax.random.randint(ks[5], (E,), 0, N_USER, dtype=jnp.int32)])
    # RelGraphEmbed learned node embeddings (featureless heterograph)
    inp["emb_user"] = jax.random.normal(ks[6], (N_USER, D), dtype=jnp.float32) * 0.1
    inp["emb_item"] = jax.random.normal(ks[7], (N_ITEM, D), dtype=jnp.float32) * 0.1
    # layer 1 per-relation Linear(D, D)
    inp["w1_follows"] = jax.random.normal(ks[8], (D, D), dtype=jnp.float32) * 0.05
    inp["b1_follows"] = jnp.zeros((D,), dtype=jnp.float32)
    inp["w1_clicks"] = jax.random.normal(ks[9], (D, D), dtype=jnp.float32) * 0.05
    inp["b1_clicks"] = jnp.zeros((D,), dtype=jnp.float32)
    inp["w1_clicked_by"] = jax.random.normal(ks[10], (D, D), dtype=jnp.float32) * 0.05
    inp["b1_clicked_by"] = jnp.zeros((D,), dtype=jnp.float32)
    # layer 2 per-relation Linear(D, OUT)
    inp["w2_follows"] = jax.random.normal(ks[11], (D, OUT), dtype=jnp.float32) * 0.05
    inp["b2_follows"] = jnp.zeros((OUT,), dtype=jnp.float32)
    inp["w2_clicks"] = jax.random.normal(ks[12], (D, OUT), dtype=jnp.float32) * 0.05
    inp["b2_clicks"] = jnp.zeros((OUT,), dtype=jnp.float32)
    inp["w2_clicked_by"] = jax.random.normal(ks[13], (D, OUT), dtype=jnp.float32) * 0.05
    inp["b2_clicked_by"] = jnp.zeros((OUT,), dtype=jnp.float32)
    return inp


def _rel_conv(x_src, W, b, edges, n_dst):
    # A[rel].T @ (x_src @ W + b): for each edge (s, d): out[d] += W x[s]
    msg = x_src @ W + b
    return jax.ops.segment_sum(msg[edges[0]], edges[1], num_segments=n_dst)


def reference(edges_follows, edges_clicks, edges_clicked_by, emb_user, emb_item,
              w1_follows, b1_follows, w1_clicks, b1_clicks, w1_clicked_by, b1_clicked_by,
              w2_follows, b2_follows, w2_clicks, b2_clicks, w2_clicked_by, b2_clicked_by):
    # layer 1 (note: torch code applies relu after each relation accumulation into hs[dst])
    h_user = jax.nn.relu(_rel_conv(emb_user, w1_follows, b1_follows, edges_follows, N_USER))
    h_item = jax.nn.relu(_rel_conv(emb_user, w1_clicks, b1_clicks, edges_clicks, N_ITEM))
    h_user = jax.nn.relu(h_user + _rel_conv(emb_item, w1_clicked_by, b1_clicked_by, edges_clicked_by, N_USER))
    # layer 2
    o_user = jax.nn.relu(_rel_conv(h_user, w2_follows, b2_follows, edges_follows, N_USER))
    o_item = jax.nn.relu(_rel_conv(h_user, w2_clicks, b2_clicks, edges_clicks, N_ITEM))
    o_user = jax.nn.relu(o_user + _rel_conv(h_item, w2_clicked_by, b2_clicked_by, edges_clicked_by, N_USER))
    return (o_user, o_item)

if __name__ == "__main__":
    import jax
    _d = setup_inputs()
    print(jax.jit(kernel)(*tuple(_d.values())))

</pallas_src>

<mosaic_0001>
#map = affine_map<(d0, d1) -> (0, 0)>
#map1 = affine_map<(d0, d1) -> (0, 0, 0)>
module attributes {stable_mosaic.version = 14 : i64} {
  func.func @agg(%arg0: i32, %arg1: i32, %arg2: memref<32x10240xi32, #tpu.memory_space<hbm>>, %arg3: memref<32x80x128xi32, #tpu.memory_space<hbm>>, %arg4: memref<10000x128xf32, #tpu.memory_space<hbm>>, %arg5: memref<32x10240xi32, #tpu.memory_space<hbm>>, %arg6: memref<32x80x128xi32, #tpu.memory_space<hbm>>, %arg7: memref<10000x128xf32, #tpu.memory_space<hbm>>, %arg8: memref<32x10240xi32, #tpu.memory_space<hbm>>, %arg9: memref<32x80x128xi32, #tpu.memory_space<hbm>>, %arg10: memref<10000x128xf32, #tpu.memory_space<hbm>>, %arg11: memref<640x128xf32, #tpu.memory_space<hbm>>, %arg12: memref<2x10000x128xf32, #tpu.memory_space<hbm>>, %arg13: memref<2x10000x128xf32, #tpu.memory_space<hbm>>, %arg14: memref<2x10000x128xf32, #tpu.memory_space<hbm>>, %arg15: memref<10240x128xf32, #tpu.memory_space<vmem_shared>>, %arg16: memref<10240xi32, #tpu.memory_space<vmem>>, %arg17: memref<80x128xi32, #tpu.memory_space<vmem>>, %arg18: memref<128x128xf32, #tpu.memory_space<vmem>>, %arg19: memref<!tpu.dma_semaphore, #tpu.memory_space<semaphore_mem>>) attributes {dimension_semantics = [#tpu.dimension_semantics<core_parallel>, #tpu.dimension_semantics<subcore_parallel>], iteration_bounds = array<i64: 2, 16>, scalar_prefetch = 0 : i64, scratch_operands = 5 : i64, tpu.core_type = #tpu.core_type<sc_vector_subcore>, window_params = [{transform_indices = #map}, {transform_indices = #map1}, {transform_indices = #map}, {transform_indices = #map}, {transform_indices = #map1}, {transform_indices = #map}, {transform_indices = #map}, {transform_indices = #map1}, {transform_indices = #map}, {transform_indices = #map}, {transform_indices = #map1}, {transform_indices = #map1}, {transform_indices = #map1}]} {
    %mul3A = arith.constant 16 : i32
    %mul3A_0 = arith.muli %arg0, %mul3A : i32
    %add3A = arith.addi %mul3A_0, %arg1 : i32
    %mul3A_1 = arith.constant 640 : i32
    %mul3A_2 = arith.muli %arg1, %mul3A_1 : i32
    "tpu.region"() ({
      %run_scoped3A = tpu.sem_alloc : memref<!tpu.dma_semaphore, #tpu.memory_space<semaphore_mem>>
      %dma_start3A = arith.constant 0 : i32
      %dma_start3A_55 = tpu.memref_slice %arg15[%mul3A_2, %dma_start3A] : memref<10240x128xf32, #tpu.memory_space<vmem_shared>> -> memref<640x128xf32, #tpu.memory_space<vmem_shared>>
      tpu.enqueue_dma source(%arg11 : memref<640x128xf32, #tpu.memory_space<hbm>>) target(%dma_start3A_55 : memref<640x128xf32, #tpu.memory_space<vmem_shared>>) target_semaphore(%run_scoped3A : memref<!tpu.dma_semaphore, #tpu.memory_space<semaphore_mem>>)
      %dma_wait3A = arith.constant 0 : i32
      %dma_wait3A_56 = tpu.memref_slice %arg15[%mul3A_2, %dma_wait3A] : memref<10240x128xf32, #tpu.memory_space<vmem_shared>> -> memref<640x128xf32, #tpu.memory_space<vmem_shared>>
      tpu.wait_dma2 semaphore(%run_scoped3A : memref<!tpu.dma_semaphore, #tpu.memory_space<semaphore_mem>>) src(%arg11 : memref<640x128xf32, #tpu.memory_space<hbm>>) dst(%dma_wait3A_56 : memref<640x128xf32, #tpu.memory_space<vmem_shared>>)
      tpu.yield
    }) : () -> ()
    %barrier3A = arith.constant 0 : index
    tpu.barrier barrier_id(%barrier3A)
    "tpu.region"() ({
      %run_scoped3A = tpu.sem_alloc : memref<!tpu.dma_semaphore, #tpu.memory_space<semaphore_mem>>
      %dma_start3A = arith.constant 0 : i32
      %dma_start3A_55 = tpu.memref_slice %arg2[%add3A, %dma_start3A] : memref<32x10240xi32, #tpu.memory_space<hbm>> -> memref<1x10240xi32, #tpu.memory_space<hbm>>
      %dma_start3A_56 = tpu.memref_squeeze %dma_start3A_55 : memref<1x10240xi32, #tpu.memory_space<hbm>> -> memref<10240xi32, #tpu.memory_space<hbm>>
      %dma_start3A_57 = arith.constant 0 : i32
      %dma_start3A_58 = tpu.memref_slice %arg2[%add3A, %dma_start3A_57] : memref<32x10240xi32, #tpu.memory_space<hbm>> -> memref<1x10240xi32, #tpu.memory_space<hbm>>
      %dma_start3A_59 = tpu.memref_squeeze %dma_start3A_58 : memref<1x10240xi32, #tpu.memory_space<hbm>> -> memref<10240xi32, #tpu.memory_space<hbm>>
      tpu.enqueue_dma source(%dma_start3A_59 : memref<10240xi32, #tpu.memory_space<hbm>>) target(%arg16 : memref<10240xi32, #tpu.memory_space<vmem>>) target_semaphore(%run_scoped3A : memref<!tpu.dma_semaphore, #tpu.memory_space<semaphore_mem>>)
      %dma_wait3A = arith.constant 0 : i32
      %dma_wait3A_60 = tpu.memref_slice %arg2[%add3A, %dma_wait3A] : memref<32x10240xi32, #tpu.memory_space<hbm>> -> memref<1x10240xi32, #tpu.memory_space<hbm>>
      %dma_wait3A_61 = tpu.memref_squeeze %dma_wait3A_60 : memref<1x10240xi32, #tpu.memory_space<hbm>> -> memref<10240xi32, #tpu.memory_space<hbm>>
      %dma_wait3A_62 = arith.constant 0 : i32
      %dma_wait3A_63 = tpu.memref_slice %arg2[%add3A, %dma_wait3A_62] : memref<32x10240xi32, #tpu.memory_space<hbm>> -> memref<1x10240xi32, #tpu.memory_space<hbm>>
      %dma_wait3A_64 = tpu.memref_squeeze %dma_wait3A_63 : memref<1x10240xi32, #tpu.memory_space<hbm>> -> memref<10240xi32, #tpu.memory_space<hbm>>
      tpu.wait_dma2 semaphore(%run_scoped3A : memref<!tpu.dma_semaphore, #tpu.memory_space<semaphore_mem>>) src(%dma_wait3A_64 : memref<10240xi32, #tpu.memory_space<hbm>>) dst(%arg16 : memref<10240xi32, #tpu.memory_space<vmem>>)
      tpu.yield
    }) : () -> ()
    "tpu.region"() ({
      %run_scoped3A = tpu.sem_alloc : memref<!tpu.dma_semaphore, #tpu.memory_space<semaphore_mem>>
      %dma_start3A = arith.constant 0 : i32
      %dma_start3A_55 = arith.constant 0 : i32
      %dma_start3A_56 = tpu.memref_slice %arg3[%add3A, %dma_start3A, %dma_start3A_55] : memref<32x80x128xi32, #tpu.memory_space<hbm>> -> memref<1x80x128xi32, #tpu.memory_space<hbm>>
      %dma_start3A_57 = tpu.memref_squeeze %dma_start3A_56 : memref<1x80x128xi32, #tpu.memory_space<hbm>> -> memref<80x128xi32, #tpu.memory_space<hbm>>
      %dma_start3A_58 = arith.constant 0 : i32
      %dma_start3A_59 = arith.constant 0 : i32
      %dma_start3A_60 = tpu.memref_slice %arg3[%add3A, %dma_start3A_58, %dma_start3A_59] : memref<32x80x128xi32, #tpu.memory_space<hbm>> -> memref<1x80x128xi32, #tpu.memory_space<hbm>>
      %dma_start3A_61 = tpu.memref_squeeze %dma_start3A_60 : memref<1x80x128xi32, #tpu.memory_space<hbm>> -> memref<80x128xi32, #tpu.memory_space<hbm>>
      tpu.enqueue_dma source(%dma_start3A_61 : memref<80x128xi32, #tpu.memory_space<hbm>>) target(%arg17 : memref<80x128xi32, #tpu.memory_space<vmem>>) target_semaphore(%run_scoped3A : memref<!tpu.dma_semaphore, #tpu.memory_space<semaphore_mem>>)
      %dma_wait3A = arith.constant 0 : i32
      %dma_wait3A_62 = arith.constant 0 : i32
      %dma_wait3A_63 = tpu.memref_slice %arg3[%add3A, %dma_wait3A, %dma_wait3A_62] : memref<32x80x128xi32, #tpu.memory_space<hbm>> -> memref<1x80x128xi32, #tpu.memory_space<hbm>>
      %dma_wait3A_64 = tpu.memref_squeeze %dma_wait3A_63 : memref<1x80x128xi32, #tpu.memory_space<hbm>> -> memref<80x128xi32, #tpu.memory_space<hbm>>
      %dma_wait3A_65 = arith.constant 0 : i32
      %dma_wait3A_66 = arith.constant 0 : i32
      %dma_wait3A_67 = tpu.memref_slice %arg3[%add3A, %dma_wait3A_65, %dma_wait3A_66] : memref<32x80x128xi32, #tpu.memory_space<hbm>> -> memref<1x80x128xi32, #tpu.memory_space<hbm>>
      %dma_wait3A_68 = tpu.memref_squeeze %dma_wait3A_67 : memref<1x80x128xi32, #tpu.memory_space<hbm>> -> memref<80x128xi32, #tpu.memory_space<hbm>>
      tpu.wait_dma2 semaphore(%run_scoped3A : memref<!tpu.dma_semaphore, #tpu.memory_space<semaphore_mem>>) src(%dma_wait3A_68 : memref<80x128xi32, #tpu.memory_space<hbm>>) dst(%arg17 : memref<80x128xi32, #tpu.memory_space<vmem>>)
      tpu.yield
    }) : () -> ()
    %scan3A = arith.constant 0 : i32
    %scan3A_3 = arith.constant 0 : i32
    %scan3A_4 = arith.constant 80 : i32
    %scan3A_5 = arith.addi %scan3A_3, %scan3A_4 : i32
    %scan3A_6 = arith.constant 1 : i32
    scf.for %scan3A_55 = %scan3A_3 to %scan3A_5 step %scan3A_6  : i32 {
      %mul3A_56 = arith.constant 128 : i32
      %mul3A_57 = arith.muli %scan3A_55, %mul3A_56 : i32
      %dma_start3A = tpu.memref_slice %arg16[%mul3A_57] : memref<10240xi32, #tpu.memory_space<vmem>> -> memref<128xi32, #tpu.memory_space<vmem>>
      %dma_start3A_58 = arith.constant 0 : i32
      %dma_start3A_59 = arith.constant 0 : i32
      %dma_start3A_60 = tpu.memref_slice %arg4[%dma_start3A_58, %dma_start3A_59] : memref<10000x128xf32, #tpu.memory_space<hbm>> -> memref<10000x128xf32, #tpu.memory_space<hbm>>
      tpu.enqueue_indirect_dma source(%dma_start3A_60 : memref<10000x128xf32, #tpu.memory_space<hbm>>) target(%arg18 : memref<128x128xf32, #tpu.memory_space<vmem>>) offsets(%dma_start3A : memref<128xi32, #tpu.memory_space<vmem>>) semaphore(%arg19 : memref<!tpu.dma_semaphore, #tpu.memory_space<semaphore_mem>>)
      %dma_wait3A = tpu.memref_slice %arg16[%mul3A_57] : memref<10240xi32, #tpu.memory_space<vmem>> -> memref<128xi32, #tpu.memory_space<vmem>>
      %dma_wait3A_61 = arith.constant 0 : i32
      %dma_wait3A_62 = arith.constant 0 : i32
      %dma_wait3A_63 = tpu.memref_slice %arg4[%dma_wait3A_61, %dma_wait3A_62] : memref<10000x128xf32, #tpu.memory_space<hbm>> -> memref<10000x128xf32, #tpu.memory_space<hbm>>
      tpu.wait_indirect_dma semaphore(%arg19 : memref<!tpu.dma_semaphore, #tpu.memory_space<semaphore_mem>>) src(%dma_wait3A_63 : memref<10000x128xf32, #tpu.memory_space<hbm>>) dst(%arg18 : memref<128x128xf32, #tpu.memory_space<vmem>>)
      "tpu.region"() ({
        %run_scoped3A = tpu.sem_alloc : memref<!tpu.dma_semaphore, #tpu.memory_space<semaphore_mem>>
        %dma_start3A_64 = arith.constant 0 : i32
        %dma_start3A_65 = tpu.memref_slice %arg17[%scan3A_55, %dma_start3A_64] : memref<80x128xi32, #tpu.memory_space<vmem>> -> memref<1x128xi32, #tpu.memory_space<vmem>>
        %dma_start3A_66 = tpu.memref_squeeze %dma_start3A_65 : memref<1x128xi32, #tpu.memory_space<vmem>> -> memref<128xi32, #tpu.memory_space<vmem>>
        %dma_start3A_67 = arith.constant 0 : i32
        %dma_start3A_68 = arith.constant 0 : i32
        %dma_start3A_69 = tpu.memref_slice %arg15[%dma_start3A_67, %dma_start3A_68] : memref<10240x128xf32, #tpu.memory_space<vmem_shared>> -> memref<10240x128xf32, #tpu.memory_space<vmem_shared>>
        tpu.enqueue_indirect_dma source(%arg18 : memref<128x128xf32, #tpu.memory_space<vmem>>) target(%dma_start3A_69 : memref<10240x128xf32, #tpu.memory_space<vmem_shared>>) offsets(%dma_start3A_66 : memref<128xi32, #tpu.memory_space<vmem>>) semaphore(%run_scoped3A : memref<!tpu.dma_semaphore, #tpu.memory_space<semaphore_mem>>) {add = true}
        %dma_wait3A_70 = arith.constant 0 : i32
        %dma_wait3A_71 = tpu.memref_slice %arg17[%scan3A_55, %dma_wait3A_70] : memref<80x128xi32, #tpu.memory_space<vmem>> -> memref<1x128xi32, #tpu.memory_space<vmem>>
        %dma_wait3A_72 = tpu.memref_squeeze %dma_wait3A_71 : memref<1x128xi32, #tpu.memory_space<vmem>> -> memref<128xi32, #tpu.memory_space<vmem>>
        %dma_wait3A_73 = arith.constant 0 : i32
        %dma_wait3A_74 = arith.constant 0 : i32
        %dma_wait3A_75 = tpu.memref_slice %arg15[%dma_wait3A_73, %dma_wait3A_74] : memref<10240x128xf32, #tpu.memory_space<vmem_shared>> -> memref<10240x128xf32, #tpu.memory_space<vmem_shared>>
        tpu.wait_indirect_dma semaphore(%run_scoped3A : memref<!tpu.dma_semaphore, #tpu.memory_space<semaphore_mem>>) src(%arg18 : memref<128x128xf32, #tpu.memory_space<vmem>>) dst(%dma_wait3A_75 : memref<10240x128xf32, #tpu.memory_space<vmem_shared>>)
        tpu.yield
      }) : () -> ()
    }
    %scan3A_7 = arith.constant 80 : i32
    %barrier3A_8 = arith.constant 0 : index
    tpu.barrier barrier_id(%barrier3A_8)
    %lt3A = arith.constant 15 : i32
    %lt3A_9 = arith.cmpi slt, %arg1, %lt3A : i32
    %convert_element_type3A = arith.extui %lt3A_9 : i1 to i32
    %cond3A = arith.constant 0 : i32
    %cond3A_10 = arith.cmpi ne, %convert_element_type3A, %cond3A : i32
    scf.if %cond3A_10 {
      %mul3A_55 = arith.constant 640 : i32
      %mul3A_56 = arith.muli %arg1, %mul3A_55 : i32
      %mul3A_57 = arith.constant 640 : i32
      %mul3A_58 = arith.muli %arg1, %mul3A_57 : i32
      "tpu.region"() ({
        %run_scoped3A = tpu.sem_alloc : memref<!tpu.dma_semaphore, #tpu.memory_space<semaphore_mem>>
        %dma_start3A = arith.constant 0 : i32
        %dma_start3A_59 = tpu.memref_slice %arg12[%arg0, %mul3A_58, %dma_start3A] : memref<2x10000x128xf32, #tpu.memory_space<hbm>> -> memref<1x640x128xf32, #tpu.memory_space<hbm>>
        %dma_start3A_60 = tpu.memref_squeeze %dma_start3A_59 : memref<1x640x128xf32, #tpu.memory_space<hbm>> -> memref<640x128xf32, #tpu.memory_space<hbm>>
        %dma_start3A_61 = arith.constant 0 : i32
        %dma_start3A_62 = tpu.memref_slice %arg15[%mul3A_56, %dma_start3A_61] : memref<10240x128xf32, #tpu.memory_space<vmem_shared>> -> memref<640x128xf32, #tpu.memory_space<vmem_shared>>
        tpu.enqueue_dma source(%dma_start3A_62 : memref<640x128xf32, #tpu.memory_space<vmem_shared>>) target(%dma_start3A_60 : memref<640x128xf32, #tpu.memory_space<hbm>>) target_semaphore(%run_scoped3A : memref<!tpu.dma_semaphore, #tpu.memory_space<semaphore_mem>>)
        %dma_wait3A = arith.constant 0 : i32
        %dma_wait3A_63 = tpu.memref_slice %arg12[%arg0, %mul3A_58, %dma_wait3A] : memref<2x10000x128xf32, #tpu.memory_space<hbm>> -> memref<1x640x128xf32, #tpu.memory_space<hbm>>
        %dma_wait3A_64 = tpu.memref_squeeze %dma_wait3A_63 : memref<1x640x128xf32, #tpu.memory_space<hbm>> -> memref<640x128xf32, #tpu.memory_space<hbm>>
        %dma_wait3A_65 = arith.constant 0 : i32
        %dma_wait3A_66 = tpu.memref_slice %arg15[%mul3A_56, %dma_wait3A_65] : memref<10240x128xf32, #tpu.memory_space<vmem_shared>> -> memref<640x128xf32, #tpu.memory_space<vmem_shared>>
        tpu.wait_dma2 semaphore(%run_scoped3A : memref<!tpu.dma_semaphore, #tpu.memory_space<semaphore_mem>>) src(%dma_wait3A_66 : memref<640x128xf32, #tpu.memory_space<vmem_shared>>) dst(%dma_wait3A_64 : memref<640x128xf32, #tpu.memory_space<hbm>>)
        tpu.yield
      }) : () -> ()
    } else {
    }
    %eq3A = arith.constant 15 : i32
    %eq3A_11 = arith.cmpi eq, %arg1, %eq3A : i32
    %convert_element_type3A_12 = arith.extui %eq3A_11 : i1 to i32
    %cond3A_13 = arith.constant 0 : i32
    %cond3A_14 = arith.cmpi ne, %convert_element_type3A_12, %cond3A_13 : i32
    scf.if %cond3A_14 {
      "tpu.region"() ({
        %run_scoped3A = tpu.sem_alloc : memref<!tpu.dma_semaphore, #tpu.memory_space<semaphore_mem>>
        %dma_start3A = arith.constant 9600 : i32
        %dma_start3A_55 = arith.constant 0 : i32
        %dma_start3A_56 = tpu.memref_slice %arg12[%arg0, %dma_start3A, %dma_start3A_55] : memref<2x10000x128xf32, #tpu.memory_space<hbm>> -> memref<1x400x128xf32, #tpu.memory_space<hbm>>
        %dma_start3A_57 = tpu.memref_squeeze %dma_start3A_56 : memref<1x400x128xf32, #tpu.memory_space<hbm>> -> memref<400x128xf32, #tpu.memory_space<hbm>>
        %dma_start3A_58 = arith.constant 9600 : i32
        %dma_start3A_59 = arith.constant 0 : i32
        %dma_start3A_60 = tpu.memref_slice %arg15[%dma_start3A_58, %dma_start3A_59] : memref<10240x128xf32, #tpu.memory_space<vmem_shared>> -> memref<400x128xf32, #tpu.memory_space<vmem_shared>>
        tpu.enqueue_dma source(%dma_start3A_60 : memref<400x128xf32, #tpu.memory_space<vmem_shared>>) target(%dma_start3A_57 : memref<400x128xf32, #tpu.memory_space<hbm>>) target_semaphore(%run_scoped3A : memref<!tpu.dma_semaphore, #tpu.memory_space<semaphore_mem>>)
        %dma_wait3A = arith.constant 9600 : i32
        %dma_wait3A_61 = arith.constant 0 : i32
        %dma_wait3A_62 = tpu.memref_slice %arg12[%arg0, %dma_wait3A, %dma_wait3A_61] : memref<2x10000x128xf32, #tpu.memory_space<hbm>> -> memref<1x400x128xf32, #tpu.memory_space<hbm>>
        %dma_wait3A_63 = tpu.memref_squeeze %dma_wait3A_62 : memref<1x400x128xf32, #tpu.memory_space<hbm>> -> memref<400x128xf32, #tpu.memory_space<hbm>>
        %dma_wait3A_64 = arith.constant 9600 : i32
        %dma_wait3A_65 = arith.constant 0 : i32
        %dma_wait3A_66 = tpu.memref_slice %arg15[%dma_wait3A_64, %dma_wait3A_65] : memref<10240x128xf32, #tpu.memory_space<vmem_shared>> -> memref<400x128xf32, #tpu.memory_space<vmem_shared>>
        tpu.wait_dma2 semaphore(%run_scoped3A : memref<!tpu.dma_semaphore, #tpu.memory_space<semaphore_mem>>) src(%dma_wait3A_66 : memref<400x128xf32, #tpu.memory_space<vmem_shared>>) dst(%dma_wait3A_63 : memref<400x128xf32, #tpu.memory_space<hbm>>)
        tpu.yield
      }) : () -> ()
    } else {
    }
    %mul3A_15 = arith.constant 640 : i32
    %mul3A_16 = arith.muli %arg1, %mul3A_15 : i32
    "tpu.region"() ({
      %run_scoped3A = tpu.sem_alloc : memref<!tpu.dma_semaphore, #tpu.memory_space<semaphore_mem>>
      %dma_start3A = arith.constant 0 : i32
      %dma_start3A_55 = tpu.memref_slice %arg15[%mul3A_16, %dma_start3A] : memref<10240x128xf32, #tpu.memory_space<vmem_shared>> -> memref<640x128xf32, #tpu.memory_space<vmem_shared>>
      tpu.enqueue_dma source(%arg11 : memref<640x128xf32, #tpu.memory_space<hbm>>) target(%dma_start3A_55 : memref<640x128xf32, #tpu.memory_space<vmem_shared>>) target_semaphore(%run_scoped3A : memref<!tpu.dma_semaphore, #tpu.memory_space<semaphore_mem>>)
      %dma_wait3A = arith.constant 0 : i32
      %dma_wait3A_56 = tpu.memref_slice %arg15[%mul3A_16, %dma_wait3A] : memref<10240x128xf32, #tpu.memory_space<vmem_shared>> -> memref<640x128xf32, #tpu.memory_space<vmem_shared>>
      tpu.wait_dma2 semaphore(%run_scoped3A : memref<!tpu.dma_semaphore, #tpu.memory_space<semaphore_mem>>) src(%arg11 : memref<640x128xf32, #tpu.memory_space<hbm>>) dst(%dma_wait3A_56 : memref<640x128xf32, #tpu.memory_space<vmem_shared>>)
      tpu.yield
    }) : () -> ()
    %barrier3A_17 = arith.constant 0 : index
    tpu.barrier barrier_id(%barrier3A_17)
    "tpu.region"() ({
      %run_scoped3A = tpu.sem_alloc : memref<!tpu.dma_semaphore, #tpu.memory_space<semaphore_mem>>
      %dma_start3A = arith.constant 0 : i32
      %dma_start3A_55 = tpu.memref_slice %arg5[%add3A, %dma_start3A] : memref<32x10240xi32, #tpu.memory_space<hbm>> -> memref<1x10240xi32, #tpu.memory_space<hbm>>
      %dma_start3A_56 = tpu.memref_squeeze %dma_start3A_55 : memref<1x10240xi32, #tpu.memory_space<hbm>> -> memref<10240xi32, #tpu.memory_space<hbm>>
      %dma_start3A_57 = arith.constant 0 : i32
      %dma_start3A_58 = tpu.memref_slice %arg5[%add3A, %dma_start3A_57] : memref<32x10240xi32, #tpu.memory_space<hbm>> -> memref<1x10240xi32, #tpu.memory_space<hbm>>
      %dma_start3A_59 = tpu.memref_squeeze %dma_start3A_58 : memref<1x10240xi32, #tpu.memory_space<hbm>> -> memref<10240xi32, #tpu.memory_space<hbm>>
      tpu.enqueue_dma source(%dma_start3A_59 : memref<10240xi32, #tpu.memory_space<hbm>>) target(%arg16 : memref<10240xi32, #tpu.memory_space<vmem>>) target_semaphore(%run_scoped3A : memref<!tpu.dma_semaphore, #tpu.memory_space<semaphore_mem>>)
      %dma_wait3A = arith.constant 0 : i32
      %dma_wait3A_60 = tpu.memref_slice %arg5[%add3A, %dma_wait3A] : memref<32x10240xi32, #tpu.memory_space<hbm>> -> memref<1x10240xi32, #tpu.memory_space<hbm>>
      %dma_wait3A_61 = tpu.memref_squeeze %dma_wait3A_60 : memref<1x10240xi32, #tpu.memory_space<hbm>> -> memref<10240xi32, #tpu.memory_space<hbm>>
      %dma_wait3A_62 = arith.constant 0 : i32
      %dma_wait3A_63 = tpu.memref_slice %arg5[%add3A, %dma_wait3A_62] : memref<32x10240xi32, #tpu.memory_space<hbm>> -> memref<1x10240xi32, #tpu.memory_space<hbm>>
      %dma_wait3A_64 = tpu.memref_squeeze %dma_wait3A_63 : memref<1x10240xi32, #tpu.memory_space<hbm>> -> memref<10240xi32, #tpu.memory_space<hbm>>
      tpu.wait_dma2 semaphore(%run_scoped3A : memref<!tpu.dma_semaphore, #tpu.memory_space<semaphore_mem>>) src(%dma_wait3A_64 : memref<10240xi32, #tpu.memory_space<hbm>>) dst(%arg16 : memref<10240xi32, #tpu.memory_space<vmem>>)
      tpu.yield
    }) : () -> ()
    "tpu.region"() ({
      %run_scoped3A = tpu.sem_alloc : memref<!tpu.dma_semaphore, #tpu.memory_space<semaphore_mem>>
      %dma_start3A = arith.constant 0 : i32
      %dma_start3A_55 = arith.constant 0 : i32
      %dma_start3A_56 = tpu.memref_slice %arg6[%add3A, %dma_start3A, %dma_start3A_55] : memref<32x80x128xi32, #tpu.memory_space<hbm>> -> memref<1x80x128xi32, #tpu.memory_space<hbm>>
      %dma_start3A_57 = tpu.memref_squeeze %dma_start3A_56 : memref<1x80x128xi32, #tpu.memory_space<hbm>> -> memref<80x128xi32, #tpu.memory_space<hbm>>
      %dma_start3A_58 = arith.constant 0 : i32
      %dma_start3A_59 = arith.constant 0 : i32
      %dma_start3A_60 = tpu.memref_slice %arg6[%add3A, %dma_start3A_58, %dma_start3A_59] : memref<32x80x128xi32, #tpu.memory_space<hbm>> -> memref<1x80x128xi32, #tpu.memory_space<hbm>>
      %dma_start3A_61 = tpu.memref_squeeze %dma_start3A_60 : memref<1x80x128xi32, #tpu.memory_space<hbm>> -> memref<80x128xi32, #tpu.memory_space<hbm>>
      tpu.enqueue_dma source(%dma_start3A_61 : memref<80x128xi32, #tpu.memory_space<hbm>>) target(%arg17 : memref<80x128xi32, #tpu.memory_space<vmem>>) target_semaphore(%run_scoped3A : memref<!tpu.dma_semaphore, #tpu.memory_space<semaphore_mem>>)
      %dma_wait3A = arith.constant 0 : i32
      %dma_wait3A_62 = arith.constant 0 : i32
      %dma_wait3A_63 = tpu.memref_slice %arg6[%add3A, %dma_wait3A, %dma_wait3A_62] : memref<32x80x128xi32, #tpu.memory_space<hbm>> -> memref<1x80x128xi32, #tpu.memory_space<hbm>>
      %dma_wait3A_64 = tpu.memref_squeeze %dma_wait3A_63 : memref<1x80x128xi32, #tpu.memory_space<hbm>> -> memref<80x128xi32, #tpu.memory_space<hbm>>
      %dma_wait3A_65 = arith.constant 0 : i32
      %dma_wait3A_66 = arith.constant 0 : i32
      %dma_wait3A_67 = tpu.memref_slice %arg6[%add3A, %dma_wait3A_65, %dma_wait3A_66] : memref<32x80x128xi32, #tpu.memory_space<hbm>> -> memref<1x80x128xi32, #tpu.memory_space<hbm>>
      %dma_wait3A_68 = tpu.memref_squeeze %dma_wait3A_67 : memref<1x80x128xi32, #tpu.memory_space<hbm>> -> memref<80x128xi32, #tpu.memory_space<hbm>>
      tpu.wait_dma2 semaphore(%run_scoped3A : memref<!tpu.dma_semaphore, #tpu.memory_space<semaphore_mem>>) src(%dma_wait3A_68 : memref<80x128xi32, #tpu.memory_space<hbm>>) dst(%arg17 : memref<80x128xi32, #tpu.memory_space<vmem>>)
      tpu.yield
    }) : () -> ()
    %scan3A_18 = arith.constant 0 : i32
    %scan3A_19 = arith.constant 0 : i32
    %scan3A_20 = arith.constant 80 : i32
    %scan3A_21 = arith.addi %scan3A_19, %scan3A_20 : i32
    %scan3A_22 = arith.constant 1 : i32
    scf.for %scan3A_55 = %scan3A_19 to %scan3A_21 step %scan3A_22  : i32 {
      %mul3A_56 = arith.constant 128 : i32
      %mul3A_57 = arith.muli %scan3A_55, %mul3A_56 : i32
      %dma_start3A = tpu.memref_slice %arg16[%mul3A_57] : memref<10240xi32, #tpu.memory_space<vmem>> -> memref<128xi32, #tpu.memory_space<vmem>>
      %dma_start3A_58 = arith.constant 0 : i32
      %dma_start3A_59 = arith.constant 0 : i32
      %dma_start3A_60 = tpu.memref_slice %arg7[%dma_start3A_58, %dma_start3A_59] : memref<10000x128xf32, #tpu.memory_space<hbm>> -> memref<10000x128xf32, #tpu.memory_space<hbm>>
      tpu.enqueue_indirect_dma source(%dma_start3A_60 : memref<10000x128xf32, #tpu.memory_space<hbm>>) target(%arg18 : memref<128x128xf32, #tpu.memory_space<vmem>>) offsets(%dma_start3A : memref<128xi32, #tpu.memory_space<vmem>>) semaphore(%arg19 : memref<!tpu.dma_semaphore, #tpu.memory_space<semaphore_mem>>)
      %dma_wait3A = tpu.memref_slice %arg16[%mul3A_57] : memref<10240xi32, #tpu.memory_space<vmem>> -> memref<128xi32, #tpu.memory_space<vmem>>
      %dma_wait3A_61 = arith.constant 0 : i32
      %dma_wait3A_62 = arith.constant 0 : i32
      %dma_wait3A_63 = tpu.memref_slice %arg7[%dma_wait3A_61, %dma_wait3A_62] : memref<10000x128xf32, #tpu.memory_space<hbm>> -> memref<10000x128xf32, #tpu.memory_space<hbm>>
      tpu.wait_indirect_dma semaphore(%arg19 : memref<!tpu.dma_semaphore, #tpu.memory_space<semaphore_mem>>) src(%dma_wait3A_63 : memref<10000x128xf32, #tpu.memory_space<hbm>>) dst(%arg18 : memref<128x128xf32, #tpu.memory_space<vmem>>)
      "tpu.region"() ({
        %run_scoped3A = tpu.sem_alloc : memref<!tpu.dma_semaphore, #tpu.memory_space<semaphore_mem>>
        %dma_start3A_64 = arith.constant 0 : i32
        %dma_start3A_65 = tpu.memref_slice %arg17[%scan3A_55, %dma_start3A_64] : memref<80x128xi32, #tpu.memory_space<vmem>> -> memref<1x128xi32, #tpu.memory_space<vmem>>
        %dma_start3A_66 = tpu.memref_squeeze %dma_start3A_65 : memref<1x128xi32, #tpu.memory_space<vmem>> -> memref<128xi32, #tpu.memory_space<vmem>>
        %dma_start3A_67 = arith.constant 0 : i32
        %dma_start3A_68 = arith.constant 0 : i32
        %dma_start3A_69 = tpu.memref_slice %arg15[%dma_start3A_67, %dma_start3A_68] : memref<10240x128xf32, #tpu.memory_space<vmem_shared>> -> memref<10240x128xf32, #tpu.memory_space<vmem_shared>>
        tpu.enqueue_indirect_dma source(%arg18 : memref<128x128xf32, #tpu.memory_space<vmem>>) target(%dma_start3A_69 : memref<10240x128xf32, #tpu.memory_space<vmem_shared>>) offsets(%dma_start3A_66 : memref<128xi32, #tpu.memory_space<vmem>>) semaphore(%run_scoped3A : memref<!tpu.dma_semaphore, #tpu.memory_space<semaphore_mem>>) {add = true}
        %dma_wait3A_70 = arith.constant 0 : i32
        %dma_wait3A_71 = tpu.memref_slice %arg17[%scan3A_55, %dma_wait3A_70] : memref<80x128xi32, #tpu.memory_space<vmem>> -> memref<1x128xi32, #tpu.memory_space<vmem>>
        %dma_wait3A_72 = tpu.memref_squeeze %dma_wait3A_71 : memref<1x128xi32, #tpu.memory_space<vmem>> -> memref<128xi32, #tpu.memory_space<vmem>>
        %dma_wait3A_73 = arith.constant 0 : i32
        %dma_wait3A_74 = arith.constant 0 : i32
        %dma_wait3A_75 = tpu.memref_slice %arg15[%dma_wait3A_73, %dma_wait3A_74] : memref<10240x128xf32, #tpu.memory_space<vmem_shared>> -> memref<10240x128xf32, #tpu.memory_space<vmem_shared>>
        tpu.wait_indirect_dma semaphore(%run_scoped3A : memref<!tpu.dma_semaphore, #tpu.memory_space<semaphore_mem>>) src(%arg18 : memref<128x128xf32, #tpu.memory_space<vmem>>) dst(%dma_wait3A_75 : memref<10240x128xf32, #tpu.memory_space<vmem_shared>>)
        tpu.yield
      }) : () -> ()
    }
    %scan3A_23 = arith.constant 80 : i32
    %barrier3A_24 = arith.constant 0 : index
    tpu.barrier barrier_id(%barrier3A_24)
    %lt3A_25 = arith.constant 15 : i32
    %lt3A_26 = arith.cmpi slt, %arg1, %lt3A_25 : i32
    %convert_element_type3A_27 = arith.extui %lt3A_26 : i1 to i32
    %cond3A_28 = arith.constant 0 : i32
    %cond3A_29 = arith.cmpi ne, %convert_element_type3A_27, %cond3A_28 : i32
    scf.if %cond3A_29 {
      %mul3A_55 = arith.constant 640 : i32
      %mul3A_56 = arith.muli %arg1, %mul3A_55 : i32
      %mul3A_57 = arith.constant 640 : i32
      %mul3A_58 = arith.muli %arg1, %mul3A_57 : i32
      "tpu.region"() ({
        %run_scoped3A = tpu.sem_alloc : memref<!tpu.dma_semaphore, #tpu.memory_space<semaphore_mem>>
        %dma_start3A = arith.constant 0 : i32
        %dma_start3A_59 = tpu.memref_slice %arg13[%arg0, %mul3A_58, %dma_start3A] : memref<2x10000x128xf32, #tpu.memory_space<hbm>> -> memref<1x640x128xf32, #tpu.memory_space<hbm>>
        %dma_start3A_60 = tpu.memref_squeeze %dma_start3A_59 : memref<1x640x128xf32, #tpu.memory_space<hbm>> -> memref<640x128xf32, #tpu.memory_space<hbm>>
        %dma_start3A_61 = arith.constant 0 : i32
        %dma_start3A_62 = tpu.memref_slice %arg15[%mul3A_56, %dma_start3A_61] : memref<10240x128xf32, #tpu.memory_space<vmem_shared>> -> memref<640x128xf32, #tpu.memory_space<vmem_shared>>
        tpu.enqueue_dma source(%dma_start3A_62 : memref<640x128xf32, #tpu.memory_space<vmem_shared>>) target(%dma_start3A_60 : memref<640x128xf32, #tpu.memory_space<hbm>>) target_semaphore(%run_scoped3A : memref<!tpu.dma_semaphore, #tpu.memory_space<semaphore_mem>>)
        %dma_wait3A = arith.constant 0 : i32
        %dma_wait3A_63 = tpu.memref_slice %arg13[%arg0, %mul3A_58, %dma_wait3A] : memref<2x10000x128xf32, #tpu.memory_space<hbm>> -> memref<1x640x128xf32, #tpu.memory_space<hbm>>
        %dma_wait3A_64 = tpu.memref_squeeze %dma_wait3A_63 : memref<1x640x128xf32, #tpu.memory_space<hbm>> -> memref<640x128xf32, #tpu.memory_space<hbm>>
        %dma_wait3A_65 = arith.constant 0 : i32
        %dma_wait3A_66 = tpu.memref_slice %arg15[%mul3A_56, %dma_wait3A_65] : memref<10240x128xf32, #tpu.memory_space<vmem_shared>> -> memref<640x128xf32, #tpu.memory_space<vmem_shared>>
        tpu.wait_dma2 semaphore(%run_scoped3A : memref<!tpu.dma_semaphore, #tpu.memory_space<semaphore_mem>>) src(%dma_wait3A_66 : memref<640x128xf32, #tpu.memory_space<vmem_shared>>) dst(%dma_wait3A_64 : memref<640x128xf32, #tpu.memory_space<hbm>>)
        tpu.yield
      }) : () -> ()
    } else {
    }
    %eq3A_30 = arith.constant 15 : i32
    %eq3A_31 = arith.cmpi eq, %arg1, %eq3A_30 : i32
    %convert_element_type3A_32 = arith.extui %eq3A_31 : i1 to i32
    %cond3A_33 = arith.constant 0 : i32
    %cond3A_34 = arith.cmpi ne, %convert_element_type3A_32, %cond3A_33 : i32
    scf.if %cond3A_34 {
      "tpu.region"() ({
        %run_scoped3A = tpu.sem_alloc : memref<!tpu.dma_semaphore, #tpu.memory_space<semaphore_mem>>
        %dma_start3A = arith.constant 9600 : i32
        %dma_start3A_55 = arith.constant 0 : i32
        %dma_start3A_56 = tpu.memref_slice %arg13[%arg0, %dma_start3A, %dma_start3A_55] : memref<2x10000x128xf32, #tpu.memory_space<hbm>> -> memref<1x400x128xf32, #tpu.memory_space<hbm>>
        %dma_start3A_57 = tpu.memref_squeeze %dma_start3A_56 : memref<1x400x128xf32, #tpu.memory_space<hbm>> -> memref<400x128xf32, #tpu.memory_space<hbm>>
        %dma_start3A_58 = arith.constant 9600 : i32
        %dma_start3A_59 = arith.constant 0 : i32
        %dma_start3A_60 = tpu.memref_slice %arg15[%dma_start3A_58, %dma_start3A_59] : memref<10240x128xf32, #tpu.memory_space<vmem_shared>> -> memref<400x128xf32, #tpu.memory_space<vmem_shared>>
        tpu.enqueue_dma source(%dma_start3A_60 : memref<400x128xf32, #tpu.memory_space<vmem_shared>>) target(%dma_start3A_57 : memref<400x128xf32, #tpu.memory_space<hbm>>) target_semaphore(%run_scoped3A : memref<!tpu.dma_semaphore, #tpu.memory_space<semaphore_mem>>)
        %dma_wait3A = arith.constant 9600 : i32
        %dma_wait3A_61 = arith.constant 0 : i32
        %dma_wait3A_62 = tpu.memref_slice %arg13[%arg0, %dma_wait3A, %dma_wait3A_61] : memref<2x10000x128xf32, #tpu.memory_space<hbm>> -> memref<1x400x128xf32, #tpu.memory_space<hbm>>
        %dma_wait3A_63 = tpu.memref_squeeze %dma_wait3A_62 : memref<1x400x128xf32, #tpu.memory_space<hbm>> -> memref<400x128xf32, #tpu.memory_space<hbm>>
        %dma_wait3A_64 = arith.constant 9600 : i32
        %dma_wait3A_65 = arith.constant 0 : i32
        %dma_wait3A_66 = tpu.memref_slice %arg15[%dma_wait3A_64, %dma_wait3A_65] : memref<10240x128xf32, #tpu.memory_space<vmem_shared>> -> memref<400x128xf32, #tpu.memory_space<vmem_shared>>
        tpu.wait_dma2 semaphore(%run_scoped3A : memref<!tpu.dma_semaphore, #tpu.memory_space<semaphore_mem>>) src(%dma_wait3A_66 : memref<400x128xf32, #tpu.memory_space<vmem_shared>>) dst(%dma_wait3A_63 : memref<400x128xf32, #tpu.memory_space<hbm>>)
        tpu.yield
      }) : () -> ()
    } else {
    }
    %mul3A_35 = arith.constant 640 : i32
    %mul3A_36 = arith.muli %arg1, %mul3A_35 : i32
    "tpu.region"() ({
      %run_scoped3A = tpu.sem_alloc : memref<!tpu.dma_semaphore, #tpu.memory_space<semaphore_mem>>
      %dma_start3A = arith.constant 0 : i32
      %dma_start3A_55 = tpu.memref_slice %arg15[%mul3A_36, %dma_start3A] : memref<10240x128xf32, #tpu.memory_space<vmem_shared>> -> memref<640x128xf32, #tpu.memory_space<vmem_shared>>
      tpu.enqueue_dma source(%arg11 : memref<640x128xf32, #tpu.memory_space<hbm>>) target(%dma_start3A_55 : memref<640x128xf32, #tpu.memory_space<vmem_shared>>) target_semaphore(%run_scoped3A : memref<!tpu.dma_semaphore, #tpu.memory_space<semaphore_mem>>)
      %dma_wait3A = arith.constant 0 : i32
      %dma_wait3A_56 = tpu.memref_slice %arg15[%mul3A_36, %dma_wait3A] : memref<10240x128xf32, #tpu.memory_space<vmem_shared>> -> memref<640x128xf32, #tpu.memory_space<vmem_shared>>
      tpu.wait_dma2 semaphore(%run_scoped3A : memref<!tpu.dma_semaphore, #tpu.memory_space<semaphore_mem>>) src(%arg11 : memref<640x128xf32, #tpu.memory_space<hbm>>) dst(%dma_wait3A_56 : memref<640x128xf32, #tpu.memory_space<vmem_shared>>)
      tpu.yield
    }) : () -> ()
    %barrier3A_37 = arith.constant 0 : index
    tpu.barrier barrier_id(%barrier3A_37)
    "tpu.region"() ({
      %run_scoped3A = tpu.sem_alloc : memref<!tpu.dma_semaphore, #tpu.memory_space<semaphore_mem>>
      %dma_start3A = arith.constant 0 : i32
      %dma_start3A_55 = tpu.memref_slice %arg8[%add3A, %dma_start3A] : memref<32x10240xi32, #tpu.memory_space<hbm>> -> memref<1x10240xi32, #tpu.memory_space<hbm>>
      %dma_start3A_56 = tpu.memref_squeeze %dma_start3A_55 : memref<1x10240xi32, #tpu.memory_space<hbm>> -> memref<10240xi32, #tpu.memory_space<hbm>>
      %dma_start3A_57 = arith.constant 0 : i32
      %dma_start3A_58 = tpu.memref_slice %arg8[%add3A, %dma_start3A_57] : memref<32x10240xi32, #tpu.memory_space<hbm>> -> memref<1x10240xi32, #tpu.memory_space<hbm>>
      %dma_start3A_59 = tpu.memref_squeeze %dma_start3A_58 : memref<1x10240xi32, #tpu.memory_space<hbm>> -> memref<10240xi32, #tpu.memory_space<hbm>>
      tpu.enqueue_dma source(%dma_start3A_59 : memref<10240xi32, #tpu.memory_space<hbm>>) target(%arg16 : memref<10240xi32, #tpu.memory_space<vmem>>) target_semaphore(%run_scoped3A : memref<!tpu.dma_semaphore, #tpu.memory_space<semaphore_mem>>)
      %dma_wait3A = arith.constant 0 : i32
      %dma_wait3A_60 = tpu.memref_slice %arg8[%add3A, %dma_wait3A] : memref<32x10240xi32, #tpu.memory_space<hbm>> -> memref<1x10240xi32, #tpu.memory_space<hbm>>
      %dma_wait3A_61 = tpu.memref_squeeze %dma_wait3A_60 : memref<1x10240xi32, #tpu.memory_space<hbm>> -> memref<10240xi32, #tpu.memory_space<hbm>>
      %dma_wait3A_62 = arith.constant 0 : i32
      %dma_wait3A_63 = tpu.memref_slice %arg8[%add3A, %dma_wait3A_62] : memref<32x10240xi32, #tpu.memory_space<hbm>> -> memref<1x10240xi32, #tpu.memory_space<hbm>>
      %dma_wait3A_64 = tpu.memref_squeeze %dma_wait3A_63 : memref<1x10240xi32, #tpu.memory_space<hbm>> -> memref<10240xi32, #tpu.memory_space<hbm>>
      tpu.wait_dma2 semaphore(%run_scoped3A : memref<!tpu.dma_semaphore, #tpu.memory_space<semaphore_mem>>) src(%dma_wait3A_64 : memref<10240xi32, #tpu.memory_space<hbm>>) dst(%arg16 : memref<10240xi32, #tpu.memory_space<vmem>>)
      tpu.yield
    }) : () -> ()
    "tpu.region"() ({
      %run_scoped3A = tpu.sem_alloc : memref<!tpu.dma_semaphore, #tpu.memory_space<semaphore_mem>>
      %dma_start3A = arith.constant 0 : i32
      %dma_start3A_55 = arith.constant 0 : i32
      %dma_start3A_56 = tpu.memref_slice %arg9[%add3A, %dma_start3A, %dma_start3A_55] : memref<32x80x128xi32, #tpu.memory_space<hbm>> -> memref<1x80x128xi32, #tpu.memory_space<hbm>>
      %dma_start3A_57 = tpu.memref_squeeze %dma_start3A_56 : memref<1x80x128xi32, #tpu.memory_space<hbm>> -> memref<80x128xi32, #tpu.memory_space<hbm>>
      %dma_start3A_58 = arith.constant 0 : i32
      %dma_start3A_59 = arith.constant 0 : i32
      %dma_start3A_60 = tpu.memref_slice %arg9[%add3A, %dma_start3A_58, %dma_start3A_59] : memref<32x80x128xi32, #tpu.memory_space<hbm>> -> memref<1x80x128xi32, #tpu.memory_space<hbm>>
      %dma_start3A_61 = tpu.memref_squeeze %dma_start3A_60 : memref<1x80x128xi32, #tpu.memory_space<hbm>> -> memref<80x128xi32, #tpu.memory_space<hbm>>
      tpu.enqueue_dma source(%dma_start3A_61 : memref<80x128xi32, #tpu.memory_space<hbm>>) target(%arg17 : memref<80x128xi32, #tpu.memory_space<vmem>>) target_semaphore(%run_scoped3A : memref<!tpu.dma_semaphore, #tpu.memory_space<semaphore_mem>>)
      %dma_wait3A = arith.constant 0 : i32
      %dma_wait3A_62 = arith.constant 0 : i32
      %dma_wait3A_63 = tpu.memref_slice %arg9[%add3A, %dma_wait3A, %dma_wait3A_62] : memref<32x80x128xi32, #tpu.memory_space<hbm>> -> memref<1x80x128xi32, #tpu.memory_space<hbm>>
      %dma_wait3A_64 = tpu.memref_squeeze %dma_wait3A_63 : memref<1x80x128xi32, #tpu.memory_space<hbm>> -> memref<80x128xi32, #tpu.memory_space<hbm>>
      %dma_wait3A_65 = arith.constant 0 : i32
      %dma_wait3A_66 = arith.constant 0 : i32
      %dma_wait3A_67 = tpu.memref_slice %arg9[%add3A, %dma_wait3A_65, %dma_wait3A_66] : memref<32x80x128xi32, #tpu.memory_space<hbm>> -> memref<1x80x128xi32, #tpu.memory_space<hbm>>
      %dma_wait3A_68 = tpu.memref_squeeze %dma_wait3A_67 : memref<1x80x128xi32, #tpu.memory_space<hbm>> -> memref<80x128xi32, #tpu.memory_space<hbm>>
      tpu.wait_dma2 semaphore(%run_scoped3A : memref<!tpu.dma_semaphore, #tpu.memory_space<semaphore_mem>>) src(%dma_wait3A_68 : memref<80x128xi32, #tpu.memory_space<hbm>>) dst(%arg17 : memref<80x128xi32, #tpu.memory_space<vmem>>)
      tpu.yield
    }) : () -> ()
    %scan3A_38 = arith.constant 0 : i32
    %scan3A_39 = arith.constant 0 : i32
    %scan3A_40 = arith.constant 80 : i32
    %scan3A_41 = arith.addi %scan3A_39, %scan3A_40 : i32
    %scan3A_42 = arith.constant 1 : i32
    scf.for %scan3A_55 = %scan3A_39 to %scan3A_41 step %scan3A_42  : i32 {
      %mul3A_56 = arith.constant 128 : i32
      %mul3A_57 = arith.muli %scan3A_55, %mul3A_56 : i32
      %dma_start3A = tpu.memref_slice %arg16[%mul3A_57] : memref<10240xi32, #tpu.memory_space<vmem>> -> memref<128xi32, #tpu.memory_space<vmem>>
      %dma_start3A_58 = arith.constant 0 : i32
      %dma_start3A_59 = arith.constant 0 : i32
      %dma_start3A_60 = tpu.memref_slice %arg10[%dma_start3A_58, %dma_start3A_59] : memref<10000x128xf32, #tpu.memory_space<hbm>> -> memref<10000x128xf32, #tpu.memory_space<hbm>>
      tpu.enqueue_indirect_dma source(%dma_start3A_60 : memref<10000x128xf32, #tpu.memory_space<hbm>>) target(%arg18 : memref<128x128xf32, #tpu.memory_space<vmem>>) offsets(%dma_start3A : memref<128xi32, #tpu.memory_space<vmem>>) semaphore(%arg19 : memref<!tpu.dma_semaphore, #tpu.memory_space<semaphore_mem>>)
      %dma_wait3A = tpu.memref_slice %arg16[%mul3A_57] : memref<10240xi32, #tpu.memory_space<vmem>> -> memref<128xi32, #tpu.memory_space<vmem>>
      %dma_wait3A_61 = arith.constant 0 : i32
      %dma_wait3A_62 = arith.constant 0 : i32
      %dma_wait3A_63 = tpu.memref_slice %arg10[%dma_wait3A_61, %dma_wait3A_62] : memref<10000x128xf32, #tpu.memory_space<hbm>> -> memref<10000x128xf32, #tpu.memory_space<hbm>>
      tpu.wait_indirect_dma semaphore(%arg19 : memref<!tpu.dma_semaphore, #tpu.memory_space<semaphore_mem>>) src(%dma_wait3A_63 : memref<10000x128xf32, #tpu.memory_space<hbm>>) dst(%arg18 : memref<128x128xf32, #tpu.memory_space<vmem>>)
      "tpu.region"() ({
        %run_scoped3A = tpu.sem_alloc : memref<!tpu.dma_semaphore, #tpu.memory_space<semaphore_mem>>
        %dma_start3A_64 = arith.constant 0 : i32
        %dma_start3A_65 = tpu.memref_slice %arg17[%scan3A_55, %dma_start3A_64] : memref<80x128xi32, #tpu.memory_space<vmem>> -> memref<1x128xi32, #tpu.memory_space<vmem>>
        %dma_start3A_66 = tpu.memref_squeeze %dma_start3A_65 : memref<1x128xi32, #tpu.memory_space<vmem>> -> memref<128xi32, #tpu.memory_space<vmem>>
        %dma_start3A_67 = arith.constant 0 : i32
        %dma_start3A_68 = arith.constant 0 : i32
        %dma_start3A_69 = tpu.memref_slice %arg15[%dma_start3A_67, %dma_start3A_68] : memref<10240x128xf32, #tpu.memory_space<vmem_shared>> -> memref<10240x128xf32, #tpu.memory_space<vmem_shared>>
        tpu.enqueue_indirect_dma source(%arg18 : memref<128x128xf32, #tpu.memory_space<vmem>>) target(%dma_start3A_69 : memref<10240x128xf32, #tpu.memory_space<vmem_shared>>) offsets(%dma_start3A_66 : memref<128xi32, #tpu.memory_space<vmem>>) semaphore(%run_scoped3A : memref<!tpu.dma_semaphore, #tpu.memory_space<semaphore_mem>>) {add = true}
        %dma_wait3A_70 = arith.constant 0 : i32
        %dma_wait3A_71 = tpu.memref_slice %arg17[%scan3A_55, %dma_wait3A_70] : memref<80x128xi32, #tpu.memory_space<vmem>> -> memref<1x128xi32, #tpu.memory_space<vmem>>
        %dma_wait3A_72 = tpu.memref_squeeze %dma_wait3A_71 : memref<1x128xi32, #tpu.memory_space<vmem>> -> memref<128xi32, #tpu.memory_space<vmem>>
        %dma_wait3A_73 = arith.constant 0 : i32
        %dma_wait3A_74 = arith.constant 0 : i32
        %dma_wait3A_75 = tpu.memref_slice %arg15[%dma_wait3A_73, %dma_wait3A_74] : memref<10240x128xf32, #tpu.memory_space<vmem_shared>> -> memref<10240x128xf32, #tpu.memory_space<vmem_shared>>
        tpu.wait_indirect_dma semaphore(%run_scoped3A : memref<!tpu.dma_semaphore, #tpu.memory_space<semaphore_mem>>) src(%arg18 : memref<128x128xf32, #tpu.memory_space<vmem>>) dst(%dma_wait3A_75 : memref<10240x128xf32, #tpu.memory_space<vmem_shared>>)
        tpu.yield
      }) : () -> ()
    }
    %scan3A_43 = arith.constant 80 : i32
    %barrier3A_44 = arith.constant 0 : index
    tpu.barrier barrier_id(%barrier3A_44)
    %lt3A_45 = arith.constant 15 : i32
    %lt3A_46 = arith.cmpi slt, %arg1, %lt3A_45 : i32
    %convert_element_type3A_47 = arith.extui %lt3A_46 : i1 to i32
    %cond3A_48 = arith.constant 0 : i32
    %cond3A_49 = arith.cmpi ne, %convert_element_type3A_47, %cond3A_48 : i32
    scf.if %cond3A_49 {
      %mul3A_55 = arith.constant 640 : i32
      %mul3A_56 = arith.muli %arg1, %mul3A_55 : i32
      %mul3A_57 = arith.constant 640 : i32
      %mul3A_58 = arith.muli %arg1, %mul3A_57 : i32
      "tpu.region"() ({
        %run_scoped3A = tpu.sem_alloc : memref<!tpu.dma_semaphore, #tpu.memory_space<semaphore_mem>>
        %dma_start3A = arith.constant 0 : i32
        %dma_start3A_59 = tpu.memref_slice %arg14[%arg0, %mul3A_58, %dma_start3A] : memref<2x10000x128xf32, #tpu.memory_space<hbm>> -> memref<1x640x128xf32, #tpu.memory_space<hbm>>
        %dma_start3A_60 = tpu.memref_squeeze %dma_start3A_59 : memref<1x640x128xf32, #tpu.memory_space<hbm>> -> memref<640x128xf32, #tpu.memory_space<hbm>>
        %dma_start3A_61 = arith.constant 0 : i32
        %dma_start3A_62 = tpu.memref_slice %arg15[%mul3A_56, %dma_start3A_61] : memref<10240x128xf32, #tpu.memory_space<vmem_shared>> -> memref<640x128xf32, #tpu.memory_space<vmem_shared>>
        tpu.enqueue_dma source(%dma_start3A_62 : memref<640x128xf32, #tpu.memory_space<vmem_shared>>) target(%dma_start3A_60 : memref<640x128xf32, #tpu.memory_space<hbm>>) target_semaphore(%run_scoped3A : memref<!tpu.dma_semaphore, #tpu.memory_space<semaphore_mem>>)
        %dma_wait3A = arith.constant 0 : i32
        %dma_wait3A_63 = tpu.memref_slice %arg14[%arg0, %mul3A_58, %dma_wait3A] : memref<2x10000x128xf32, #tpu.memory_space<hbm>> -> memref<1x640x128xf32, #tpu.memory_space<hbm>>
        %dma_wait3A_64 = tpu.memref_squeeze %dma_wait3A_63 : memref<1x640x128xf32, #tpu.memory_space<hbm>> -> memref<640x128xf32, #tpu.memory_space<hbm>>
        %dma_wait3A_65 = arith.constant 0 : i32
        %dma_wait3A_66 = tpu.memref_slice %arg15[%mul3A_56, %dma_wait3A_65] : memref<10240x128xf32, #tpu.memory_space<vmem_shared>> -> memref<640x128xf32, #tpu.memory_space<vmem_shared>>
        tpu.wait_dma2 semaphore(%run_scoped3A : memref<!tpu.dma_semaphore, #tpu.memory_space<semaphore_mem>>) src(%dma_wait3A_66 : memref<640x128xf32, #tpu.memory_space<vmem_shared>>) dst(%dma_wait3A_64 : memref<640x128xf32, #tpu.memory_space<hbm>>)
        tpu.yield
      }) : () -> ()
    } else {
    }
    %eq3A_50 = arith.constant 15 : i32
    %eq3A_51 = arith.cmpi eq, %arg1, %eq3A_50 : i32
    %convert_element_type3A_52 = arith.extui %eq3A_51 : i1 to i32
    %cond3A_53 = arith.constant 0 : i32
    %cond3A_54 = arith.cmpi ne, %convert_element_type3A_52, %cond3A_53 : i32
    scf.if %cond3A_54 {
      "tpu.region"() ({
        %run_scoped3A = tpu.sem_alloc : memref<!tpu.dma_semaphore, #tpu.memory_space<semaphore_mem>>
        %dma_start3A = arith.constant 9600 : i32
        %dma_start3A_55 = arith.constant 0 : i32
        %dma_start3A_56 = tpu.memref_slice %arg14[%arg0, %dma_start3A, %dma_start3A_55] : memref<2x10000x128xf32, #tpu.memory_space<hbm>> -> memref<1x400x128xf32, #tpu.memory_space<hbm>>
        %dma_start3A_57 = tpu.memref_squeeze %dma_start3A_56 : memref<1x400x128xf32, #tpu.memory_space<hbm>> -> memref<400x128xf32, #tpu.memory_space<hbm>>
        %dma_start3A_58 = arith.constant 9600 : i32
        %dma_start3A_59 = arith.constant 0 : i32
        %dma_start3A_60 = tpu.memref_slice %arg15[%dma_start3A_58, %dma_start3A_59] : memref<10240x128xf32, #tpu.memory_space<vmem_shared>> -> memref<400x128xf32, #tpu.memory_space<vmem_shared>>
        tpu.enqueue_dma source(%dma_start3A_60 : memref<400x128xf32, #tpu.memory_space<vmem_shared>>) target(%dma_start3A_57 : memref<400x128xf32, #tpu.memory_space<hbm>>) target_semaphore(%run_scoped3A : memref<!tpu.dma_semaphore, #tpu.memory_space<semaphore_mem>>)
        %dma_wait3A = arith.constant 9600 : i32
        %dma_wait3A_61 = arith.constant 0 : i32
        %dma_wait3A_62 = tpu.memref_slice %arg14[%arg0, %dma_wait3A, %dma_wait3A_61] : memref<2x10000x128xf32, #tpu.memory_space<hbm>> -> memref<1x400x128xf32, #tpu.memory_space<hbm>>
        %dma_wait3A_63 = tpu.memref_squeeze %dma_wait3A_62 : memref<1x400x128xf32, #tpu.memory_space<hbm>> -> memref<400x128xf32, #tpu.memory_space<hbm>>
        %dma_wait3A_64 = arith.constant 9600 : i32
        %dma_wait3A_65 = arith.constant 0 : i32
        %dma_wait3A_66 = tpu.memref_slice %arg15[%dma_wait3A_64, %dma_wait3A_65] : memref<10240x128xf32, #tpu.memory_space<vmem_shared>> -> memref<400x128xf32, #tpu.memory_space<vmem_shared>>
        tpu.wait_dma2 semaphore(%run_scoped3A : memref<!tpu.dma_semaphore, #tpu.memory_space<semaphore_mem>>) src(%dma_wait3A_66 : memref<400x128xf32, #tpu.memory_space<vmem_shared>>) dst(%dma_wait3A_63 : memref<400x128xf32, #tpu.memory_space<hbm>>)
        tpu.yield
      }) : () -> ()
    } else {
    }
    return
  }
}

#map = affine_map<(d0, d1) -> (0, 0)>
#map1 = affine_map<(d0, d1) -> (0, 0, 0)>
module attributes {stable_mosaic.version = 14 : i64} {
  func.func @agg(%arg0: i32, %arg1: i32, %arg2: memref<32x10240xi32, #tpu.memory_space<hbm>>, %arg3: memref<32x80x128xi32, #tpu.memory_space<hbm>>, %arg4: memref<10000x16xf32, #tpu.memory_space<hbm>>, %arg5: memref<32x10240xi32, #tpu.memory_space<hbm>>, %arg6: memref<32x80x128xi32, #tpu.memory_space<hbm>>, %arg7: memref<10000x16xf32, #tpu.memory_space<hbm>>, %arg8: memref<32x10240xi32, #tpu.memory_space<hbm>>, %arg9: memref<32x80x128xi32, #tpu.memory_space<hbm>>, %arg10: memref<10000x16xf32, #tpu.memory_space<hbm>>, %arg11: memref<640x16xf32, #tpu.memory_space<hbm>>, %arg12: memref<2x10000x16xf32, #tpu.memory_space<hbm>>, %arg13: memref<2x10000x16xf32, #tpu.memory_space<hbm>>, %arg14: memref<2x10000x16xf32, #tpu.memory_space<hbm>>, %arg15: memref<10240x16xf32, #tpu.memory_space<vmem_shared>>, %arg16: memref<10240xi32, #tpu.memory_space<vmem>>, %arg17: memref<80x128xi32, #tpu.memory_space<vmem>>, %arg18: memref<128x16xf32, #tpu.memory_space<vmem>>, %arg19: memref<!tpu.dma_semaphore, #tpu.memory_space<semaphore_mem>>) attributes {dimension_semantics = [#tpu.dimension_semantics<core_parallel>, #tpu.dimension_semantics<subcore_parallel>], iteration_bounds = array<i64: 2, 16>, scalar_prefetch = 0 : i64, scratch_operands = 5 : i64, tpu.core_type = #tpu.core_type<sc_vector_subcore>, window_params = [{transform_indices = #map}, {transform_indices = #map1}, {transform_indices = #map}, {transform_indices = #map}, {transform_indices = #map1}, {transform_indices = #map}, {transform_indices = #map}, {transform_indices = #map1}, {transform_indices = #map}, {transform_indices = #map}, {transform_indices = #map1}, {transform_indices = #map1}, {transform_indices = #map1}]} {
    %mul3A = arith.constant 16 : i32
    %mul3A_0 = arith.muli %arg0, %mul3A : i32
    %add3A = arith.addi %mul3A_0, %arg1 : i32
    %mul3A_1 = arith.constant 640 : i32
    %mul3A_2 = arith.muli %arg1, %mul3A_1 : i32
    "tpu.region"() ({
      %run_scoped3A = tpu.sem_alloc : memref<!tpu.dma_semaphore, #tpu.memory_space<semaphore_mem>>
      %dma_start3A = arith.constant 0 : i32
      %dma_start3A_55 = tpu.memref_slice %arg15[%mul3A_2, %dma_start3A] : memref<10240x16xf32, #tpu.memory_space<vmem_shared>> -> memref<640x16xf32, #tpu.memory_space<vmem_shared>>
      tpu.enqueue_dma source(%arg11 : memref<640x16xf32, #tpu.memory_space<hbm>>) target(%dma_start3A_55 : memref<640x16xf32, #tpu.memory_space<vmem_shared>>) target_semaphore(%run_scoped3A : memref<!tpu.dma_semaphore, #tpu.memory_space<semaphore_mem>>)
      %dma_wait3A = arith.constant 0 : i32
      %dma_wait3A_56 = tpu.memref_slice %arg15[%mul3A_2, %dma_wait3A] : memref<10240x16xf32, #tpu.memory_space<vmem_shared>> -> memref<640x16xf32, #tpu.memory_space<vmem_shared>>
      tpu.wait_dma2 semaphore(%run_scoped3A : memref<!tpu.dma_semaphore, #tpu.memory_space<semaphore_mem>>) src(%arg11 : memref<640x16xf32, #tpu.memory_space<hbm>>) dst(%dma_wait3A_56 : memref<640x16xf32, #tpu.memory_space<vmem_shared>>)
      tpu.yield
    }) : () -> ()
    %barrier3A = arith.constant 0 : index
    tpu.barrier barrier_id(%barrier3A)
    "tpu.region"() ({
      %run_scoped3A = tpu.sem_alloc : memref<!tpu.dma_semaphore, #tpu.memory_space<semaphore_mem>>
      %dma_start3A = arith.constant 0 : i32
      %dma_start3A_55 = tpu.memref_slice %arg2[%add3A, %dma_start3A] : memref<32x10240xi32, #tpu.memory_space<hbm>> -> memref<1x10240xi32, #tpu.memory_space<hbm>>
      %dma_start3A_56 = tpu.memref_squeeze %dma_start3A_55 : memref<1x10240xi32, #tpu.memory_space<hbm>> -> memref<10240xi32, #tpu.memory_space<hbm>>
      %dma_start3A_57 = arith.constant 0 : i32
      %dma_start3A_58 = tpu.memref_slice %arg2[%add3A, %dma_start3A_57] : memref<32x10240xi32, #tpu.memory_space<hbm>> -> memref<1x10240xi32, #tpu.memory_space<hbm>>
      %dma_start3A_59 = tpu.memref_squeeze %dma_start3A_58 : memref<1x10240xi32, #tpu.memory_space<hbm>> -> memref<10240xi32, #tpu.memory_space<hbm>>
      tpu.enqueue_dma source(%dma_start3A_59 : memref<10240xi32, #tpu.memory_space<hbm>>) target(%arg16 : memref<10240xi32, #tpu.memory_space<vmem>>) target_semaphore(%run_scoped3A : memref<!tpu.dma_semaphore, #tpu.memory_space<semaphore_mem>>)
      %dma_wait3A = arith.constant 0 : i32
      %dma_wait3A_60 = tpu.memref_slice %arg2[%add3A, %dma_wait3A] : memref<32x10240xi32, #tpu.memory_space<hbm>> -> memref<1x10240xi32, #tpu.memory_space<hbm>>
      %dma_wait3A_61 = tpu.memref_squeeze %dma_wait3A_60 : memref<1x10240xi32, #tpu.memory_space<hbm>> -> memref<10240xi32, #tpu.memory_space<hbm>>
      %dma_wait3A_62 = arith.constant 0 : i32
      %dma_wait3A_63 = tpu.memref_slice %arg2[%add3A, %dma_wait3A_62] : memref<32x10240xi32, #tpu.memory_space<hbm>> -> memref<1x10240xi32, #tpu.memory_space<hbm>>
      %dma_wait3A_64 = tpu.memref_squeeze %dma_wait3A_63 : memref<1x10240xi32, #tpu.memory_space<hbm>> -> memref<10240xi32, #tpu.memory_space<hbm>>
      tpu.wait_dma2 semaphore(%run_scoped3A : memref<!tpu.dma_semaphore, #tpu.memory_space<semaphore_mem>>) src(%dma_wait3A_64 : memref<10240xi32, #tpu.memory_space<hbm>>) dst(%arg16 : memref<10240xi32, #tpu.memory_space<vmem>>)
      tpu.yield
    }) : () -> ()
    "tpu.region"() ({
      %run_scoped3A = tpu.sem_alloc : memref<!tpu.dma_semaphore, #tpu.memory_space<semaphore_mem>>
      %dma_start3A = arith.constant 0 : i32
      %dma_start3A_55 = arith.constant 0 : i32
      %dma_start3A_56 = tpu.memref_slice %arg3[%add3A, %dma_start3A, %dma_start3A_55] : memref<32x80x128xi32, #tpu.memory_space<hbm>> -> memref<1x80x128xi32, #tpu.memory_space<hbm>>
      %dma_start3A_57 = tpu.memref_squeeze %dma_start3A_56 : memref<1x80x128xi32, #tpu.memory_space<hbm>> -> memref<80x128xi32, #tpu.memory_space<hbm>>
      %dma_start3A_58 = arith.constant 0 : i32
      %dma_start3A_59 = arith.constant 0 : i32
      %dma_start3A_60 = tpu.memref_slice %arg3[%add3A, %dma_start3A_58, %dma_start3A_59] : memref<32x80x128xi32, #tpu.memory_space<hbm>> -> memref<1x80x128xi32, #tpu.memory_space<hbm>>
      %dma_start3A_61 = tpu.memref_squeeze %dma_start3A_60 : memref<1x80x128xi32, #tpu.memory_space<hbm>> -> memref<80x128xi32, #tpu.memory_space<hbm>>
      tpu.enqueue_dma source(%dma_start3A_61 : memref<80x128xi32, #tpu.memory_space<hbm>>) target(%arg17 : memref<80x128xi32, #tpu.memory_space<vmem>>) target_semaphore(%run_scoped3A : memref<!tpu.dma_semaphore, #tpu.memory_space<semaphore_mem>>)
      %dma_wait3A = arith.constant 0 : i32
      %dma_wait3A_62 = arith.constant 0 : i32
      %dma_wait3A_63 = tpu.memref_slice %arg3[%add3A, %dma_wait3A, %dma_wait3A_62] : memref<32x80x128xi32, #tpu.memory_space<hbm>> -> memref<1x80x128xi32, #tpu.memory_space<hbm>>
      %dma_wait3A_64 = tpu.memref_squeeze %dma_wait3A_63 : memref<1x80x128xi32, #tpu.memory_space<hbm>> -> memref<80x128xi32, #tpu.memory_space<hbm>>
      %dma_wait3A_65 = arith.constant 0 : i32
      %dma_wait3A_66 = arith.constant 0 : i32
      %dma_wait3A_67 = tpu.memref_slice %arg3[%add3A, %dma_wait3A_65, %dma_wait3A_66] : memref<32x80x128xi32, #tpu.memory_space<hbm>> -> memref<1x80x128xi32, #tpu.memory_space<hbm>>
      %dma_wait3A_68 = tpu.memref_squeeze %dma_wait3A_67 : memref<1x80x128xi32, #tpu.memory_space<hbm>> -> memref<80x128xi32, #tpu.memory_space<hbm>>
      tpu.wait_dma2 semaphore(%run_scoped3A : memref<!tpu.dma_semaphore, #tpu.memory_space<semaphore_mem>>) src(%dma_wait3A_68 : memref<80x128xi32, #tpu.memory_space<hbm>>) dst(%arg17 : memref<80x128xi32, #tpu.memory_space<vmem>>)
      tpu.yield
    }) : () -> ()
    %scan3A = arith.constant 0 : i32
    %scan3A_3 = arith.constant 0 : i32
    %scan3A_4 = arith.constant 80 : i32
    %scan3A_5 = arith.addi %scan3A_3, %scan3A_4 : i32
    %scan3A_6 = arith.constant 1 : i32
    scf.for %scan3A_55 = %scan3A_3 to %scan3A_5 step %scan3A_6  : i32 {
      %mul3A_56 = arith.constant 128 : i32
      %mul3A_57 = arith.muli %scan3A_55, %mul3A_56 : i32
      %dma_start3A = tpu.memref_slice %arg16[%mul3A_57] : memref<10240xi32, #tpu.memory_space<vmem>> -> memref<128xi32, #tpu.memory_space<vmem>>
      %dma_start3A_58 = arith.constant 0 : i32
      %dma_start3A_59 = arith.constant 0 : i32
      %dma_start3A_60 = tpu.memref_slice %arg4[%dma_start3A_58, %dma_start3A_59] : memref<10000x16xf32, #tpu.memory_space<hbm>> -> memref<10000x16xf32, #tpu.memory_space<hbm>>
      tpu.enqueue_indirect_dma source(%dma_start3A_60 : memref<10000x16xf32, #tpu.memory_space<hbm>>) target(%arg18 : memref<128x16xf32, #tpu.memory_space<vmem>>) offsets(%dma_start3A : memref<128xi32, #tpu.memory_space<vmem>>) semaphore(%arg19 : memref<!tpu.dma_semaphore, #tpu.memory_space<semaphore_mem>>)
      %dma_wait3A = tpu.memref_slice %arg16[%mul3A_57] : memref<10240xi32, #tpu.memory_space<vmem>> -> memref<128xi32, #tpu.memory_space<vmem>>
      %dma_wait3A_61 = arith.constant 0 : i32
      %dma_wait3A_62 = arith.constant 0 : i32
      %dma_wait3A_63 = tpu.memref_slice %arg4[%dma_wait3A_61, %dma_wait3A_62] : memref<10000x16xf32, #tpu.memory_space<hbm>> -> memref<10000x16xf32, #tpu.memory_space<hbm>>
      tpu.wait_indirect_dma semaphore(%arg19 : memref<!tpu.dma_semaphore, #tpu.memory_space<semaphore_mem>>) src(%dma_wait3A_63 : memref<10000x16xf32, #tpu.memory_space<hbm>>) dst(%arg18 : memref<128x16xf32, #tpu.memory_space<vmem>>)
      "tpu.region"() ({
        %run_scoped3A = tpu.sem_alloc : memref<!tpu.dma_semaphore, #tpu.memory_space<semaphore_mem>>
        %dma_start3A_64 = arith.constant 0 : i32
        %dma_start3A_65 = tpu.memref_slice %arg17[%scan3A_55, %dma_start3A_64] : memref<80x128xi32, #tpu.memory_space<vmem>> -> memref<1x128xi32, #tpu.memory_space<vmem>>
        %dma_start3A_66 = tpu.memref_squeeze %dma_start3A_65 : memref<1x128xi32, #tpu.memory_space<vmem>> -> memref<128xi32, #tpu.memory_space<vmem>>
        %dma_start3A_67 = arith.constant 0 : i32
        %dma_start3A_68 = arith.constant 0 : i32
        %dma_start3A_69 = tpu.memref_slice %arg15[%dma_start3A_67, %dma_start3A_68] : memref<10240x16xf32, #tpu.memory_space<vmem_shared>> -> memref<10240x16xf32, #tpu.memory_space<vmem_shared>>
        tpu.enqueue_indirect_dma source(%arg18 : memref<128x16xf32, #tpu.memory_space<vmem>>) target(%dma_start3A_69 : memref<10240x16xf32, #tpu.memory_space<vmem_shared>>) offsets(%dma_start3A_66 : memref<128xi32, #tpu.memory_space<vmem>>) semaphore(%run_scoped3A : memref<!tpu.dma_semaphore, #tpu.memory_space<semaphore_mem>>) {add = true}
        %dma_wait3A_70 = arith.constant 0 : i32
        %dma_wait3A_71 = tpu.memref_slice %arg17[%scan3A_55, %dma_wait3A_70] : memref<80x128xi32, #tpu.memory_space<vmem>> -> memref<1x128xi32, #tpu.memory_space<vmem>>
        %dma_wait3A_72 = tpu.memref_squeeze %dma_wait3A_71 : memref<1x128xi32, #tpu.memory_space<vmem>> -> memref<128xi32, #tpu.memory_space<vmem>>
        %dma_wait3A_73 = arith.constant 0 : i32
        %dma_wait3A_74 = arith.constant 0 : i32
        %dma_wait3A_75 = tpu.memref_slice %arg15[%dma_wait3A_73, %dma_wait3A_74] : memref<10240x16xf32, #tpu.memory_space<vmem_shared>> -> memref<10240x16xf32, #tpu.memory_space<vmem_shared>>
        tpu.wait_indirect_dma semaphore(%run_scoped3A : memref<!tpu.dma_semaphore, #tpu.memory_space<semaphore_mem>>) src(%arg18 : memref<128x16xf32, #tpu.memory_space<vmem>>) dst(%dma_wait3A_75 : memref<10240x16xf32, #tpu.memory_space<vmem_shared>>)
        tpu.yield
      }) : () -> ()
    }
    %scan3A_7 = arith.constant 80 : i32
    %barrier3A_8 = arith.constant 0 : index
    tpu.barrier barrier_id(%barrier3A_8)
    %lt3A = arith.constant 15 : i32
    %lt3A_9 = arith.cmpi slt, %arg1, %lt3A : i32
    %convert_element_type3A = arith.extui %lt3A_9 : i1 to i32
    %cond3A = arith.constant 0 : i32
    %cond3A_10 = arith.cmpi ne, %convert_element_type3A, %cond3A : i32
    scf.if %cond3A_10 {
      %mul3A_55 = arith.constant 640 : i32
      %mul3A_56 = arith.muli %arg1, %mul3A_55 : i32
      %mul3A_57 = arith.constant 640 : i32
      %mul3A_58 = arith.muli %arg1, %mul3A_57 : i32
      "tpu.region"() ({
        %run_scoped3A = tpu.sem_alloc : memref<!tpu.dma_semaphore, #tpu.memory_space<semaphore_mem>>
        %dma_start3A = arith.constant 0 : i32
        %dma_start3A_59 = tpu.memref_slice %arg12[%arg0, %mul3A_58, %dma_start3A] : memref<2x10000x16xf32, #tpu.memory_space<hbm>> -> memref<1x640x16xf32, #tpu.memory_space<hbm>>
        %dma_start3A_60 = tpu.memref_squeeze %dma_start3A_59 : memref<1x640x16xf32, #tpu.memory_space<hbm>> -> memref<640x16xf32, #tpu.memory_space<hbm>>
        %dma_start3A_61 = arith.constant 0 : i32
        %dma_start3A_62 = tpu.memref_slice %arg15[%mul3A_56, %dma_start3A_61] : memref<10240x16xf32, #tpu.memory_space<vmem_shared>> -> memref<640x16xf32, #tpu.memory_space<vmem_shared>>
        tpu.enqueue_dma source(%dma_start3A_62 : memref<640x16xf32, #tpu.memory_space<vmem_shared>>) target(%dma_start3A_60 : memref<640x16xf32, #tpu.memory_space<hbm>>) target_semaphore(%run_scoped3A : memref<!tpu.dma_semaphore, #tpu.memory_space<semaphore_mem>>)
        %dma_wait3A = arith.constant 0 : i32
        %dma_wait3A_63 = tpu.memref_slice %arg12[%arg0, %mul3A_58, %dma_wait3A] : memref<2x10000x16xf32, #tpu.memory_space<hbm>> -> memref<1x640x16xf32, #tpu.memory_space<hbm>>
        %dma_wait3A_64 = tpu.memref_squeeze %dma_wait3A_63 : memref<1x640x16xf32, #tpu.memory_space<hbm>> -> memref<640x16xf32, #tpu.memory_space<hbm>>
        %dma_wait3A_65 = arith.constant 0 : i32
        %dma_wait3A_66 = tpu.memref_slice %arg15[%mul3A_56, %dma_wait3A_65] : memref<10240x16xf32, #tpu.memory_space<vmem_shared>> -> memref<640x16xf32, #tpu.memory_space<vmem_shared>>
        tpu.wait_dma2 semaphore(%run_scoped3A : memref<!tpu.dma_semaphore, #tpu.memory_space<semaphore_mem>>) src(%dma_wait3A_66 : memref<640x16xf32, #tpu.memory_space<vmem_shared>>) dst(%dma_wait3A_64 : memref<640x16xf32, #tpu.memory_space<hbm>>)
        tpu.yield
      }) : () -> ()
    } else {
    }
    %eq3A = arith.constant 15 : i32
    %eq3A_11 = arith.cmpi eq, %arg1, %eq3A : i32
    %convert_element_type3A_12 = arith.extui %eq3A_11 : i1 to i32
    %cond3A_13 = arith.constant 0 : i32
    %cond3A_14 = arith.cmpi ne, %convert_element_type3A_12, %cond3A_13 : i32
    scf.if %cond3A_14 {
      "tpu.region"() ({
        %run_scoped3A = tpu.sem_alloc : memref<!tpu.dma_semaphore, #tpu.memory_space<semaphore_mem>>
        %dma_start3A = arith.constant 9600 : i32
        %dma_start3A_55 = arith.constant 0 : i32
        %dma_start3A_56 = tpu.memref_slice %arg12[%arg0, %dma_start3A, %dma_start3A_55] : memref<2x10000x16xf32, #tpu.memory_space<hbm>> -> memref<1x400x16xf32, #tpu.memory_space<hbm>>
        %dma_start3A_57 = tpu.memref_squeeze %dma_start3A_56 : memref<1x400x16xf32, #tpu.memory_space<hbm>> -> memref<400x16xf32, #tpu.memory_space<hbm>>
        %dma_start3A_58 = arith.constant 9600 : i32
        %dma_start3A_59 = arith.constant 0 : i32
        %dma_start3A_60 = tpu.memref_slice %arg15[%dma_start3A_58, %dma_start3A_59] : memref<10240x16xf32, #tpu.memory_space<vmem_shared>> -> memref<400x16xf32, #tpu.memory_space<vmem_shared>>
        tpu.enqueue_dma source(%dma_start3A_60 : memref<400x16xf32, #tpu.memory_space<vmem_shared>>) target(%dma_start3A_57 : memref<400x16xf32, #tpu.memory_space<hbm>>) target_semaphore(%run_scoped3A : memref<!tpu.dma_semaphore, #tpu.memory_space<semaphore_mem>>)
        %dma_wait3A = arith.constant 9600 : i32
        %dma_wait3A_61 = arith.constant 0 : i32
        %dma_wait3A_62 = tpu.memref_slice %arg12[%arg0, %dma_wait3A, %dma_wait3A_61] : memref<2x10000x16xf32, #tpu.memory_space<hbm>> -> memref<1x400x16xf32, #tpu.memory_space<hbm>>
        %dma_wait3A_63 = tpu.memref_squeeze %dma_wait3A_62 : memref<1x400x16xf32, #tpu.memory_space<hbm>> -> memref<400x16xf32, #tpu.memory_space<hbm>>
        %dma_wait3A_64 = arith.constant 9600 : i32
        %dma_wait3A_65 = arith.constant 0 : i32
        %dma_wait3A_66 = tpu.memref_slice %arg15[%dma_wait3A_64, %dma_wait3A_65] : memref<10240x16xf32, #tpu.memory_space<vmem_shared>> -> memref<400x16xf32, #tpu.memory_space<vmem_shared>>
        tpu.wait_dma2 semaphore(%run_scoped3A : memref<!tpu.dma_semaphore, #tpu.memory_space<semaphore_mem>>) src(%dma_wait3A_66 : memref<400x16xf32, #tpu.memory_space<vmem_shared>>) dst(%dma_wait3A_63 : memref<400x16xf32, #tpu.memory_space<hbm>>)
        tpu.yield
      }) : () -> ()
    } else {
    }
    %mul3A_15 = arith.constant 640 : i32
    %mul3A_16 = arith.muli %arg1, %mul3A_15 : i32
    "tpu.region"() ({
      %run_scoped3A = tpu.sem_alloc : memref<!tpu.dma_semaphore, #tpu.memory_space<semaphore_mem>>
      %dma_start3A = arith.constant 0 : i32
      %dma_start3A_55 = tpu.memref_slice %arg15[%mul3A_16, %dma_start3A] : memref<10240x16xf32, #tpu.memory_space<vmem_shared>> -> memref<640x16xf32, #tpu.memory_space<vmem_shared>>
      tpu.enqueue_dma source(%arg11 : memref<640x16xf32, #tpu.memory_space<hbm>>) target(%dma_start3A_55 : memref<640x16xf32, #tpu.memory_space<vmem_shared>>) target_semaphore(%run_scoped3A : memref<!tpu.dma_semaphore, #tpu.memory_space<semaphore_mem>>)
      %dma_wait3A = arith.constant 0 : i32
      %dma_wait3A_56 = tpu.memref_slice %arg15[%mul3A_16, %dma_wait3A] : memref<10240x16xf32, #tpu.memory_space<vmem_shared>> -> memref<640x16xf32, #tpu.memory_space<vmem_shared>>
      tpu.wait_dma2 semaphore(%run_scoped3A : memref<!tpu.dma_semaphore, #tpu.memory_space<semaphore_mem>>) src(%arg11 : memref<640x16xf32, #tpu.memory_space<hbm>>) dst(%dma_wait3A_56 : memref<640x16xf32, #tpu.memory_space<vmem_shared>>)
      tpu.yield
    }) : () -> ()
    %barrier3A_17 = arith.constant 0 : index
    tpu.barrier barrier_id(%barrier3A_17)
    "tpu.region"() ({
      %run_scoped3A = tpu.sem_alloc : memref<!tpu.dma_semaphore, #tpu.memory_space<semaphore_mem>>
      %dma_start3A = arith.constant 0 : i32
      %dma_start3A_55 = tpu.memref_slice %arg5[%add3A, %dma_start3A] : memref<32x10240xi32, #tpu.memory_space<hbm>> -> memref<1x10240xi32, #tpu.memory_space<hbm>>
      %dma_start3A_56 = tpu.memref_squeeze %dma_start3A_55 : memref<1x10240xi32, #tpu.memory_space<hbm>> -> memref<10240xi32, #tpu.memory_space<hbm>>
      %dma_start3A_57 = arith.constant 0 : i32
      %dma_start3A_58 = tpu.memref_slice %arg5[%add3A, %dma_start3A_57] : memref<32x10240xi32, #tpu.memory_space<hbm>> -> memref<1x10240xi32, #tpu.memory_space<hbm>>
      %dma_start3A_59 = tpu.memref_squeeze %dma_start3A_58 : memref<1x10240xi32, #tpu.memory_space<hbm>> -> memref<10240xi32, #tpu.memory_space<hbm>>
      tpu.enqueue_dma source(%dma_start3A_59 : memref<10240xi32, #tpu.memory_space<hbm>>) target(%arg16 : memref<10240xi32, #tpu.memory_space<vmem>>) target_semaphore(%run_scoped3A : memref<!tpu.dma_semaphore, #tpu.memory_space<semaphore_mem>>)
      %dma_wait3A = arith.constant 0 : i32
      %dma_wait3A_60 = tpu.memref_slice %arg5[%add3A, %dma_wait3A] : memref<32x10240xi32, #tpu.memory_space<hbm>> -> memref<1x10240xi32, #tpu.memory_space<hbm>>
      %dma_wait3A_61 = tpu.memref_squeeze %dma_wait3A_60 : memref<1x10240xi32, #tpu.memory_space<hbm>> -> memref<10240xi32, #tpu.memory_space<hbm>>
      %dma_wait3A_62 = arith.constant 0 : i32
      %dma_wait3A_63 = tpu.memref_slice %arg5[%add3A, %dma_wait3A_62] : memref<32x10240xi32, #tpu.memory_space<hbm>> -> memref<1x10240xi32, #tpu.memory_space<hbm>>
      %dma_wait3A_64 = tpu.memref_squeeze %dma_wait3A_63 : memref<1x10240xi32, #tpu.memory_space<hbm>> -> memref<10240xi32, #tpu.memory_space<hbm>>
      tpu.wait_dma2 semaphore(%run_scoped3A : memref<!tpu.dma_semaphore, #tpu.memory_space<semaphore_mem>>) src(%dma_wait3A_64 : memref<10240xi32, #tpu.memory_space<hbm>>) dst(%arg16 : memref<10240xi32, #tpu.memory_space<vmem>>)
      tpu.yield
    }) : () -> ()
    "tpu.region"() ({
      %run_scoped3A = tpu.sem_alloc : memref<!tpu.dma_semaphore, #tpu.memory_space<semaphore_mem>>
      %dma_start3A = arith.constant 0 : i32
      %dma_start3A_55 = arith.constant 0 : i32
      %dma_start3A_56 = tpu.memref_slice %arg6[%add3A, %dma_start3A, %dma_start3A_55] : memref<32x80x128xi32, #tpu.memory_space<hbm>> -> memref<1x80x128xi32, #tpu.memory_space<hbm>>
      %dma_start3A_57 = tpu.memref_squeeze %dma_start3A_56 : memref<1x80x128xi32, #tpu.memory_space<hbm>> -> memref<80x128xi32, #tpu.memory_space<hbm>>
      %dma_start3A_58 = arith.constant 0 : i32
      %dma_start3A_59 = arith.constant 0 : i32
      %dma_start3A_60 = tpu.memref_slice %arg6[%add3A, %dma_start3A_58, %dma_start3A_59] : memref<32x80x128xi32, #tpu.memory_space<hbm>> -> memref<1x80x128xi32, #tpu.memory_space<hbm>>
      %dma_start3A_61 = tpu.memref_squeeze %dma_start3A_60 : memref<1x80x128xi32, #tpu.memory_space<hbm>> -> memref<80x128xi32, #tpu.memory_space<hbm>>
      tpu.enqueue_dma source(%dma_start3A_61 : memref<80x128xi32, #tpu.memory_space<hbm>>) target(%arg17 : memref<80x128xi32, #tpu.memory_space<vmem>>) target_semaphore(%run_scoped3A : memref<!tpu.dma_semaphore, #tpu.memory_space<semaphore_mem>>)
      %dma_wait3A = arith.constant 0 : i32
      %dma_wait3A_62 = arith.constant 0 : i32
      %dma_wait3A_63 = tpu.memref_slice %arg6[%add3A, %dma_wait3A, %dma_wait3A_62] : memref<32x80x128xi32, #tpu.memory_space<hbm>> -> memref<1x80x128xi32, #tpu.memory_space<hbm>>
      %dma_wait3A_64 = tpu.memref_squeeze %dma_wait3A_63 : memref<1x80x128xi32, #tpu.memory_space<hbm>> -> memref<80x128xi32, #tpu.memory_space<hbm>>
      %dma_wait3A_65 = arith.constant 0 : i32
      %dma_wait3A_66 = arith.constant 0 : i32
      %dma_wait3A_67 = tpu.memref_slice %arg6[%add3A, %dma_wait3A_65, %dma_wait3A_66] : memref<32x80x128xi32, #tpu.memory_space<hbm>> -> memref<1x80x128xi32, #tpu.memory_space<hbm>>
      %dma_wait3A_68 = tpu.memref_squeeze %dma_wait3A_67 : memref<1x80x128xi32, #tpu.memory_space<hbm>> -> memref<80x128xi32, #tpu.memory_space<hbm>>
      tpu.wait_dma2 semaphore(%run_scoped3A : memref<!tpu.dma_semaphore, #tpu.memory_space<semaphore_mem>>) src(%dma_wait3A_68 : memref<80x128xi32, #tpu.memory_space<hbm>>) dst(%arg17 : memref<80x128xi32, #tpu.memory_space<vmem>>)
      tpu.yield
    }) : () -> ()
    %scan3A_18 = arith.constant 0 : i32
    %scan3A_19 = arith.constant 0 : i32
    %scan3A_20 = arith.constant 80 : i32
    %scan3A_21 = arith.addi %scan3A_19, %scan3A_20 : i32
    %scan3A_22 = arith.constant 1 : i32
    scf.for %scan3A_55 = %scan3A_19 to %scan3A_21 step %scan3A_22  : i32 {
      %mul3A_56 = arith.constant 128 : i32
      %mul3A_57 = arith.muli %scan3A_55, %mul3A_56 : i32
      %dma_start3A = tpu.memref_slice %arg16[%mul3A_57] : memref<10240xi32, #tpu.memory_space<vmem>> -> memref<128xi32, #tpu.memory_space<vmem>>
      %dma_start3A_58 = arith.constant 0 : i32
      %dma_start3A_59 = arith.constant 0 : i32
      %dma_start3A_60 = tpu.memref_slice %arg7[%dma_start3A_58, %dma_start3A_59] : memref<10000x16xf32, #tpu.memory_space<hbm>> -> memref<10000x16xf32, #tpu.memory_space<hbm>>
      tpu.enqueue_indirect_dma source(%dma_start3A_60 : memref<10000x16xf32, #tpu.memory_space<hbm>>) target(%arg18 : memref<128x16xf32, #tpu.memory_space<vmem>>) offsets(%dma_start3A : memref<128xi32, #tpu.memory_space<vmem>>) semaphore(%arg19 : memref<!tpu.dma_semaphore, #tpu.memory_space<semaphore_mem>>)
      %dma_wait3A = tpu.memref_slice %arg16[%mul3A_57] : memref<10240xi32, #tpu.memory_space<vmem>> -> memref<128xi32, #tpu.memory_space<vmem>>
      %dma_wait3A_61 = arith.constant 0 : i32
      %dma_wait3A_62 = arith.constant 0 : i32
      %dma_wait3A_63 = tpu.memref_slice %arg7[%dma_wait3A_61, %dma_wait3A_62] : memref<10000x16xf32, #tpu.memory_space<hbm>> -> memref<10000x16xf32, #tpu.memory_space<hbm>>
      tpu.wait_indirect_dma semaphore(%arg19 : memref<!tpu.dma_semaphore, #tpu.memory_space<semaphore_mem>>) src(%dma_wait3A_63 : memref<10000x16xf32, #tpu.memory_space<hbm>>) dst(%arg18 : memref<128x16xf32, #tpu.memory_space<vmem>>)
      "tpu.region"() ({
        %run_scoped3A = tpu.sem_alloc : memref<!tpu.dma_semaphore, #tpu.memory_space<semaphore_mem>>
        %dma_start3A_64 = arith.constant 0 : i32
        %dma_start3A_65 = tpu.memref_slice %arg17[%scan3A_55, %dma_start3A_64] : memref<80x128xi32, #tpu.memory_space<vmem>> -> memref<1x128xi32, #tpu.memory_space<vmem>>
        %dma_start3A_66 = tpu.memref_squeeze %dma_start3A_65 : memref<1x128xi32, #tpu.memory_space<vmem>> -> memref<128xi32, #tpu.memory_space<vmem>>
        %dma_start3A_67 = arith.constant 0 : i32
        %dma_start3A_68 = arith.constant 0 : i32
        %dma_start3A_69 = tpu.memref_slice %arg15[%dma_start3A_67, %dma_start3A_68] : memref<10240x16xf32, #tpu.memory_space<vmem_shared>> -> memref<10240x16xf32, #tpu.memory_space<vmem_shared>>
        tpu.enqueue_indirect_dma source(%arg18 : memref<128x16xf32, #tpu.memory_space<vmem>>) target(%dma_start3A_69 : memref<10240x16xf32, #tpu.memory_space<vmem_shared>>) offsets(%dma_start3A_66 : memref<128xi32, #tpu.memory_space<vmem>>) semaphore(%run_scoped3A : memref<!tpu.dma_semaphore, #tpu.memory_space<semaphore_mem>>) {add = true}
        %dma_wait3A_70 = arith.constant 0 : i32
        %dma_wait3A_71 = tpu.memref_slice %arg17[%scan3A_55, %dma_wait3A_70] : memref<80x128xi32, #tpu.memory_space<vmem>> -> memref<1x128xi32, #tpu.memory_space<vmem>>
        %dma_wait3A_72 = tpu.memref_squeeze %dma_wait3A_71 : memref<1x128xi32, #tpu.memory_space<vmem>> -> memref<128xi32, #tpu.memory_space<vmem>>
        %dma_wait3A_73 = arith.constant 0 : i32
        %dma_wait3A_74 = arith.constant 0 : i32
        %dma_wait3A_75 = tpu.memref_slice %arg15[%dma_wait3A_73, %dma_wait3A_74] : memref<10240x16xf32, #tpu.memory_space<vmem_shared>> -> memref<10240x16xf32, #tpu.memory_space<vmem_shared>>
        tpu.wait_indirect_dma semaphore(%run_scoped3A : memref<!tpu.dma_semaphore, #tpu.memory_space<semaphore_mem>>) src(%arg18 : memref<128x16xf32, #tpu.memory_space<vmem>>) dst(%dma_wait3A_75 : memref<10240x16xf32, #tpu.memory_space<vmem_shared>>)
        tpu.yield
      }) : () -> ()
    }
    %scan3A_23 = arith.constant 80 : i32
    %barrier3A_24 = arith.constant 0 : index
    tpu.barrier barrier_id(%barrier3A_24)
    %lt3A_25 = arith.constant 15 : i32
    %lt3A_26 = arith.cmpi slt, %arg1, %lt3A_25 : i32
    %convert_element_type3A_27 = arith.extui %lt3A_26 : i1 to i32
    %cond3A_28 = arith.constant 0 : i32
    %cond3A_29 = arith.cmpi ne, %convert_element_type3A_27, %cond3A_28 : i32
    scf.if %cond3A_29 {
      %mul3A_55 = arith.constant 640 : i32
      %mul3A_56 = arith.muli %arg1, %mul3A_55 : i32
      %mul3A_57 = arith.constant 640 : i32
      %mul3A_58 = arith.muli %arg1, %mul3A_57 : i32
      "tpu.region"() ({
        %run_scoped3A = tpu.sem_alloc : memref<!tpu.dma_semaphore, #tpu.memory_space<semaphore_mem>>
        %dma_start3A = arith.constant 0 : i32
        %dma_start3A_59 = tpu.memref_slice %arg13[%arg0, %mul3A_58, %dma_start3A] : memref<2x10000x16xf32, #tpu.memory_space<hbm>> -> memref<1x640x16xf32, #tpu.memory_space<hbm>>
        %dma_start3A_60 = tpu.memref_squeeze %dma_start3A_59 : memref<1x640x16xf32, #tpu.memory_space<hbm>> -> memref<640x16xf32, #tpu.memory_space<hbm>>
        %dma_start3A_61 = arith.constant 0 : i32
        %dma_start3A_62 = tpu.memref_slice %arg15[%mul3A_56, %dma_start3A_61] : memref<10240x16xf32, #tpu.memory_space<vmem_shared>> -> memref<640x16xf32, #tpu.memory_space<vmem_shared>>
        tpu.enqueue_dma source(%dma_start3A_62 : memref<640x16xf32, #tpu.memory_space<vmem_shared>>) target(%dma_start3A_60 : memref<640x16xf32, #tpu.memory_space<hbm>>) target_semaphore(%run_scoped3A : memref<!tpu.dma_semaphore, #tpu.memory_space<semaphore_mem>>)
        %dma_wait3A = arith.constant 0 : i32
        %dma_wait3A_63 = tpu.memref_slice %arg13[%arg0, %mul3A_58, %dma_wait3A] : memref<2x10000x16xf32, #tpu.memory_space<hbm>> -> memref<1x640x16xf32, #tpu.memory_space<hbm>>
        %dma_wait3A_64 = tpu.memref_squeeze %dma_wait3A_63 : memref<1x640x16xf32, #tpu.memory_space<hbm>> -> memref<640x16xf32, #tpu.memory_space<hbm>>
        %dma_wait3A_65 = arith.constant 0 : i32
        %dma_wait3A_66 = tpu.memref_slice %arg15[%mul3A_56, %dma_wait3A_65] : memref<10240x16xf32, #tpu.memory_space<vmem_shared>> -> memref<640x16xf32, #tpu.memory_space<vmem_shared>>
        tpu.wait_dma2 semaphore(%run_scoped3A : memref<!tpu.dma_semaphore, #tpu.memory_space<semaphore_mem>>) src(%dma_wait3A_66 : memref<640x16xf32, #tpu.memory_space<vmem_shared>>) dst(%dma_wait3A_64 : memref<640x16xf32, #tpu.memory_space<hbm>>)
        tpu.yield
      }) : () -> ()
    } else {
    }
    %eq3A_30 = arith.constant 15 : i32
    %eq3A_31 = arith.cmpi eq, %arg1, %eq3A_30 : i32
    %convert_element_type3A_32 = arith.extui %eq3A_31 : i1 to i32
    %cond3A_33 = arith.constant 0 : i32
    %cond3A_34 = arith.cmpi ne, %convert_element_type3A_32, %cond3A_33 : i32
    scf.if %cond3A_34 {
      "tpu.region"() ({
        %run_scoped3A = tpu.sem_alloc : memref<!tpu.dma_semaphore, #tpu.memory_space<semaphore_mem>>
        %dma_start3A = arith.constant 9600 : i32
        %dma_start3A_55 = arith.constant 0 : i32
        %dma_start3A_56 = tpu.memref_slice %arg13[%arg0, %dma_start3A, %dma_start3A_55] : memref<2x10000x16xf32, #tpu.memory_space<hbm>> -> memref<1x400x16xf32, #tpu.memory_space<hbm>>
        %dma_start3A_57 = tpu.memref_squeeze %dma_start3A_56 : memref<1x400x16xf32, #tpu.memory_space<hbm>> -> memref<400x16xf32, #tpu.memory_space<hbm>>
        %dma_start3A_58 = arith.constant 9600 : i32
        %dma_start3A_59 = arith.constant 0 : i32
        %dma_start3A_60 = tpu.memref_slice %arg15[%dma_start3A_58, %dma_start3A_59] : memref<10240x16xf32, #tpu.memory_space<vmem_shared>> -> memref<400x16xf32, #tpu.memory_space<vmem_shared>>
        tpu.enqueue_dma source(%dma_start3A_60 : memref<400x16xf32, #tpu.memory_space<vmem_shared>>) target(%dma_start3A_57 : memref<400x16xf32, #tpu.memory_space<hbm>>) target_semaphore(%run_scoped3A : memref<!tpu.dma_semaphore, #tpu.memory_space<semaphore_mem>>)
        %dma_wait3A = arith.constant 9600 : i32
        %dma_wait3A_61 = arith.constant 0 : i32
        %dma_wait3A_62 = tpu.memref_slice %arg13[%arg0, %dma_wait3A, %dma_wait3A_61] : memref<2x10000x16xf32, #tpu.memory_space<hbm>> -> memref<1x400x16xf32, #tpu.memory_space<hbm>>
        %dma_wait3A_63 = tpu.memref_squeeze %dma_wait3A_62 : memref<1x400x16xf32, #tpu.memory_space<hbm>> -> memref<400x16xf32, #tpu.memory_space<hbm>>
        %dma_wait3A_64 = arith.constant 9600 : i32
        %dma_wait3A_65 = arith.constant 0 : i32
        %dma_wait3A_66 = tpu.memref_slice %arg15[%dma_wait3A_64, %dma_wait3A_65] : memref<10240x16xf32, #tpu.memory_space<vmem_shared>> -> memref<400x16xf32, #tpu.memory_space<vmem_shared>>
        tpu.wait_dma2 semaphore(%run_scoped3A : memref<!tpu.dma_semaphore, #tpu.memory_space<semaphore_mem>>) src(%dma_wait3A_66 : memref<400x16xf32, #tpu.memory_space<vmem_shared>>) dst(%dma_wait3A_63 : memref<400x16xf32, #tpu.memory_space<hbm>>)
        tpu.yield
      }) : () -> ()
    } else {
    }
    %mul3A_35 = arith.constant 640 : i32
    %mul3A_36 = arith.muli %arg1, %mul3A_35 : i32
    "tpu.region"() ({
      %run_scoped3A = tpu.sem_alloc : memref<!tpu.dma_semaphore, #tpu.memory_space<semaphore_mem>>
      %dma_start3A = arith.constant 0 : i32
      %dma_start3A_55 = tpu.memref_slice %arg15[%mul3A_36, %dma_start3A] : memref<10240x16xf32, #tpu.memory_space<vmem_shared>> -> memref<640x16xf32, #tpu.memory_space<vmem_shared>>
      tpu.enqueue_dma source(%arg11 : memref<640x16xf32, #tpu.memory_space<hbm>>) target(%dma_start3A_55 : memref<640x16xf32, #tpu.memory_space<vmem_shared>>) target_semaphore(%run_scoped3A : memref<!tpu.dma_semaphore, #tpu.memory_space<semaphore_mem>>)
      %dma_wait3A = arith.constant 0 : i32
      %dma_wait3A_56 = tpu.memref_slice %arg15[%mul3A_36, %dma_wait3A] : memref<10240x16xf32, #tpu.memory_space<vmem_shared>> -> memref<640x16xf32, #tpu.memory_space<vmem_shared>>
      tpu.wait_dma2 semaphore(%run_scoped3A : memref<!tpu.dma_semaphore, #tpu.memory_space<semaphore_mem>>) src(%arg11 : memref<640x16xf32, #tpu.memory_space<hbm>>) dst(%dma_wait3A_56 : memref<640x16xf32, #tpu.memory_space<vmem_shared>>)
      tpu.yield
    }) : () -> ()
    %barrier3A_37 = arith.constant 0 : index
    tpu.barrier barrier_id(%barrier3A_37)
    "tpu.region"() ({
      %run_scoped3A = tpu.sem_alloc : memref<!tpu.dma_semaphore, #tpu.memory_space<semaphore_mem>>
      %dma_start3A = arith.constant 0 : i32
      %dma_start3A_55 = tpu.memref_slice %arg8[%add3A, %dma_start3A] : memref<32x10240xi32, #tpu.memory_space<hbm>> -> memref<1x10240xi32, #tpu.memory_space<hbm>>
      %dma_start3A_56 = tpu.memref_squeeze %dma_start3A_55 : memref<1x10240xi32, #tpu.memory_space<hbm>> -> memref<10240xi32, #tpu.memory_space<hbm>>
      %dma_start3A_57 = arith.constant 0 : i32
      %dma_start3A_58 = tpu.memref_slice %arg8[%add3A, %dma_start3A_57] : memref<32x10240xi32, #tpu.memory_space<hbm>> -> memref<1x10240xi32, #tpu.memory_space<hbm>>
      %dma_start3A_59 = tpu.memref_squeeze %dma_start3A_58 : memref<1x10240xi32, #tpu.memory_space<hbm>> -> memref<10240xi32, #tpu.memory_space<hbm>>
      tpu.enqueue_dma source(%dma_start3A_59 : memref<10240xi32, #tpu.memory_space<hbm>>) target(%arg16 : memref<10240xi32, #tpu.memory_space<vmem>>) target_semaphore(%run_scoped3A : memref<!tpu.dma_semaphore, #tpu.memory_space<semaphore_mem>>)
      %dma_wait3A = arith.constant 0 : i32
      %dma_wait3A_60 = tpu.memref_slice %arg8[%add3A, %dma_wait3A] : memref<32x10240xi32, #tpu.memory_space<hbm>> -> memref<1x10240xi32, #tpu.memory_space<hbm>>
      %dma_wait3A_61 = tpu.memref_squeeze %dma_wait3A_60 : memref<1x10240xi32, #tpu.memory_space<hbm>> -> memref<10240xi32, #tpu.memory_space<hbm>>
      %dma_wait3A_62 = arith.constant 0 : i32
      %dma_wait3A_63 = tpu.memref_slice %arg8[%add3A, %dma_wait3A_62] : memref<32x10240xi32, #tpu.memory_space<hbm>> -> memref<1x10240xi32, #tpu.memory_space<hbm>>
      %dma_wait3A_64 = tpu.memref_squeeze %dma_wait3A_63 : memref<1x10240xi32, #tpu.memory_space<hbm>> -> memref<10240xi32, #tpu.memory_space<hbm>>
      tpu.wait_dma2 semaphore(%run_scoped3A : memref<!tpu.dma_semaphore, #tpu.memory_space<semaphore_mem>>) src(%dma_wait3A_64 : memref<10240xi32, #tpu.memory_space<hbm>>) dst(%arg16 : memref<10240xi32, #tpu.memory_space<vmem>>)
      tpu.yield
    }) : () -> ()
    "tpu.region"() ({
      %run_scoped3A = tpu.sem_alloc : memref<!tpu.dma_semaphore, #tpu.memory_space<semaphore_mem>>
      %dma_start3A = arith.constant 0 : i32
      %dma_start3A_55 = arith.constant 0 : i32
      %dma_start3A_56 = tpu.memref_slice %arg9[%add3A, %dma_start3A, %dma_start3A_55] : memref<32x80x128xi32, #tpu.memory_space<hbm>> -> memref<1x80x128xi32, #tpu.memory_space<hbm>>
      %dma_start3A_57 = tpu.memref_squeeze %dma_start3A_56 : memref<1x80x128xi32, #tpu.memory_space<hbm>> -> memref<80x128xi32, #tpu.memory_space<hbm>>
      %dma_start3A_58 = arith.constant 0 : i32
      %dma_start3A_59 = arith.constant 0 : i32
      %dma_start3A_60 = tpu.memref_slice %arg9[%add3A, %dma_start3A_58, %dma_start3A_59] : memref<32x80x128xi32, #tpu.memory_space<hbm>> -> memref<1x80x128xi32, #tpu.memory_space<hbm>>
      %dma_start3A_61 = tpu.memref_squeeze %dma_start3A_60 : memref<1x80x128xi32, #tpu.memory_space<hbm>> -> memref<80x128xi32, #tpu.memory_space<hbm>>
      tpu.enqueue_dma source(%dma_start3A_61 : memref<80x128xi32, #tpu.memory_space<hbm>>) target(%arg17 : memref<80x128xi32, #tpu.memory_space<vmem>>) target_semaphore(%run_scoped3A : memref<!tpu.dma_semaphore, #tpu.memory_space<semaphore_mem>>)
      %dma_wait3A = arith.constant 0 : i32
      %dma_wait3A_62 = arith.constant 0 : i32
      %dma_wait3A_63 = tpu.memref_slice %arg9[%add3A, %dma_wait3A, %dma_wait3A_62] : memref<32x80x128xi32, #tpu.memory_space<hbm>> -> memref<1x80x128xi32, #tpu.memory_space<hbm>>
      %dma_wait3A_64 = tpu.memref_squeeze %dma_wait3A_63 : memref<1x80x128xi32, #tpu.memory_space<hbm>> -> memref<80x128xi32, #tpu.memory_space<hbm>>
      %dma_wait3A_65 = arith.constant 0 : i32
      %dma_wait3A_66 = arith.constant 0 : i32
      %dma_wait3A_67 = tpu.memref_slice %arg9[%add3A, %dma_wait3A_65, %dma_wait3A_66] : memref<32x80x128xi32, #tpu.memory_space<hbm>> -> memref<1x80x128xi32, #tpu.memory_space<hbm>>
      %dma_wait3A_68 = tpu.memref_squeeze %dma_wait3A_67 : memref<1x80x128xi32, #tpu.memory_space<hbm>> -> memref<80x128xi32, #tpu.memory_space<hbm>>
      tpu.wait_dma2 semaphore(%run_scoped3A : memref<!tpu.dma_semaphore, #tpu.memory_space<semaphore_mem>>) src(%dma_wait3A_68 : memref<80x128xi32, #tpu.memory_space<hbm>>) dst(%arg17 : memref<80x128xi32, #tpu.memory_space<vmem>>)
      tpu.yield
    }) : () -> ()
    %scan3A_38 = arith.constant 0 : i32
    %scan3A_39 = arith.constant 0 : i32
    %scan3A_40 = arith.constant 80 : i32
    %scan3A_41 = arith.addi %scan3A_39, %scan3A_40 : i32
    %scan3A_42 = arith.constant 1 : i32
    scf.for %scan3A_55 = %scan3A_39 to %scan3A_41 step %scan3A_42  : i32 {
      %mul3A_56 = arith.constant 128 : i32
      %mul3A_57 = arith.muli %scan3A_55, %mul3A_56 : i32
      %dma_start3A = tpu.memref_slice %arg16[%mul3A_57] : memref<10240xi32, #tpu.memory_space<vmem>> -> memref<128xi32, #tpu.memory_space<vmem>>
      %dma_start3A_58 = arith.constant 0 : i32
      %dma_start3A_59 = arith.constant 0 : i32
      %dma_start3A_60 = tpu.memref_slice %arg10[%dma_start3A_58, %dma_start3A_59] : memref<10000x16xf32, #tpu.memory_space<hbm>> -> memref<10000x16xf32, #tpu.memory_space<hbm>>
      tpu.enqueue_indirect_dma source(%dma_start3A_60 : memref<10000x16xf32, #tpu.memory_space<hbm>>) target(%arg18 : memref<128x16xf32, #tpu.memory_space<vmem>>) offsets(%dma_start3A : memref<128xi32, #tpu.memory_space<vmem>>) semaphore(%arg19 : memref<!tpu.dma_semaphore, #tpu.memory_space<semaphore_mem>>)
      %dma_wait3A = tpu.memref_slice %arg16[%mul3A_57] : memref<10240xi32, #tpu.memory_space<vmem>> -> memref<128xi32, #tpu.memory_space<vmem>>
      %dma_wait3A_61 = arith.constant 0 : i32
      %dma_wait3A_62 = arith.constant 0 : i32
      %dma_wait3A_63 = tpu.memref_slice %arg10[%dma_wait3A_61, %dma_wait3A_62] : memref<10000x16xf32, #tpu.memory_space<hbm>> -> memref<10000x16xf32, #tpu.memory_space<hbm>>
      tpu.wait_indirect_dma semaphore(%arg19 : memref<!tpu.dma_semaphore, #tpu.memory_space<semaphore_mem>>) src(%dma_wait3A_63 : memref<10000x16xf32, #tpu.memory_space<hbm>>) dst(%arg18 : memref<128x16xf32, #tpu.memory_space<vmem>>)
      "tpu.region"() ({
        %run_scoped3A = tpu.sem_alloc : memref<!tpu.dma_semaphore, #tpu.memory_space<semaphore_mem>>
        %dma_start3A_64 = arith.constant 0 : i32
        %dma_start3A_65 = tpu.memref_slice %arg17[%scan3A_55, %dma_start3A_64] : memref<80x128xi32, #tpu.memory_space<vmem>> -> memref<1x128xi32, #tpu.memory_space<vmem>>
        %dma_start3A_66 = tpu.memref_squeeze %dma_start3A_65 : memref<1x128xi32, #tpu.memory_space<vmem>> -> memref<128xi32, #tpu.memory_space<vmem>>
        %dma_start3A_67 = arith.constant 0 : i32
        %dma_start3A_68 = arith.constant 0 : i32
        %dma_start3A_69 = tpu.memref_slice %arg15[%dma_start3A_67, %dma_start3A_68] : memref<10240x16xf32, #tpu.memory_space<vmem_shared>> -> memref<10240x16xf32, #tpu.memory_space<vmem_shared>>
        tpu.enqueue_indirect_dma source(%arg18 : memref<128x16xf32, #tpu.memory_space<vmem>>) target(%dma_start3A_69 : memref<10240x16xf32, #tpu.memory_space<vmem_shared>>) offsets(%dma_start3A_66 : memref<128xi32, #tpu.memory_space<vmem>>) semaphore(%run_scoped3A : memref<!tpu.dma_semaphore, #tpu.memory_space<semaphore_mem>>) {add = true}
        %dma_wait3A_70 = arith.constant 0 : i32
        %dma_wait3A_71 = tpu.memref_slice %arg17[%scan3A_55, %dma_wait3A_70] : memref<80x128xi32, #tpu.memory_space<vmem>> -> memref<1x128xi32, #tpu.memory_space<vmem>>
        %dma_wait3A_72 = tpu.memref_squeeze %dma_wait3A_71 : memref<1x128xi32, #tpu.memory_space<vmem>> -> memref<128xi32, #tpu.memory_space<vmem>>
        %dma_wait3A_73 = arith.constant 0 : i32
        %dma_wait3A_74 = arith.constant 0 : i32
        %dma_wait3A_75 = tpu.memref_slice %arg15[%dma_wait3A_73, %dma_wait3A_74] : memref<10240x16xf32, #tpu.memory_space<vmem_shared>> -> memref<10240x16xf32, #tpu.memory_space<vmem_shared>>
        tpu.wait_indirect_dma semaphore(%run_scoped3A : memref<!tpu.dma_semaphore, #tpu.memory_space<semaphore_mem>>) src(%arg18 : memref<128x16xf32, #tpu.memory_space<vmem>>) dst(%dma_wait3A_75 : memref<10240x16xf32, #tpu.memory_space<vmem_shared>>)
        tpu.yield
      }) : () -> ()
    }
    %scan3A_43 = arith.constant 80 : i32
    %barrier3A_44 = arith.constant 0 : index
    tpu.barrier barrier_id(%barrier3A_44)
    %lt3A_45 = arith.constant 15 : i32
    %lt3A_46 = arith.cmpi slt, %arg1, %lt3A_45 : i32
    %convert_element_type3A_47 = arith.extui %lt3A_46 : i1 to i32
    %cond3A_48 = arith.constant 0 : i32
    %cond3A_49 = arith.cmpi ne, %convert_element_type3A_47, %cond3A_48 : i32
    scf.if %cond3A_49 {
      %mul3A_55 = arith.constant 640 : i32
      %mul3A_56 = arith.muli %arg1, %mul3A_55 : i32
      %mul3A_57 = arith.constant 640 : i32
      %mul3A_58 = arith.muli %arg1, %mul3A_57 : i32
      "tpu.region"() ({
        %run_scoped3A = tpu.sem_alloc : memref<!tpu.dma_semaphore, #tpu.memory_space<semaphore_mem>>
        %dma_start3A = arith.constant 0 : i32
        %dma_start3A_59 = tpu.memref_slice %arg14[%arg0, %mul3A_58, %dma_start3A] : memref<2x10000x16xf32, #tpu.memory_space<hbm>> -> memref<1x640x16xf32, #tpu.memory_space<hbm>>
        %dma_start3A_60 = tpu.memref_squeeze %dma_start3A_59 : memref<1x640x16xf32, #tpu.memory_space<hbm>> -> memref<640x16xf32, #tpu.memory_space<hbm>>
        %dma_start3A_61 = arith.constant 0 : i32
        %dma_start3A_62 = tpu.memref_slice %arg15[%mul3A_56, %dma_start3A_61] : memref<10240x16xf32, #tpu.memory_space<vmem_shared>> -> memref<640x16xf32, #tpu.memory_space<vmem_shared>>
        tpu.enqueue_dma source(%dma_start3A_62 : memref<640x16xf32, #tpu.memory_space<vmem_shared>>) target(%dma_start3A_60 : memref<640x16xf32, #tpu.memory_space<hbm>>) target_semaphore(%run_scoped3A : memref<!tpu.dma_semaphore, #tpu.memory_space<semaphore_mem>>)
        %dma_wait3A = arith.constant 0 : i32
        %dma_wait3A_63 = tpu.memref_slice %arg14[%arg0, %mul3A_58, %dma_wait3A] : memref<2x10000x16xf32, #tpu.memory_space<hbm>> -> memref<1x640x16xf32, #tpu.memory_space<hbm>>
        %dma_wait3A_64 = tpu.memref_squeeze %dma_wait3A_63 : memref<1x640x16xf32, #tpu.memory_space<hbm>> -> memref<640x16xf32, #tpu.memory_space<hbm>>
        %dma_wait3A_65 = arith.constant 0 : i32
        %dma_wait3A_66 = tpu.memref_slice %arg15[%mul3A_56, %dma_wait3A_65] : memref<10240x16xf32, #tpu.memory_space<vmem_shared>> -> memref<640x16xf32, #tpu.memory_space<vmem_shared>>
        tpu.wait_dma2 semaphore(%run_scoped3A : memref<!tpu.dma_semaphore, #tpu.memory_space<semaphore_mem>>) src(%dma_wait3A_66 : memref<640x16xf32, #tpu.memory_space<vmem_shared>>) dst(%dma_wait3A_64 : memref<640x16xf32, #tpu.memory_space<hbm>>)
        tpu.yield
      }) : () -> ()
    } else {
    }
    %eq3A_50 = arith.constant 15 : i32
    %eq3A_51 = arith.cmpi eq, %arg1, %eq3A_50 : i32
    %convert_element_type3A_52 = arith.extui %eq3A_51 : i1 to i32
    %cond3A_53 = arith.constant 0 : i32
    %cond3A_54 = arith.cmpi ne, %convert_element_type3A_52, %cond3A_53 : i32
    scf.if %cond3A_54 {
      "tpu.region"() ({
        %run_scoped3A = tpu.sem_alloc : memref<!tpu.dma_semaphore, #tpu.memory_space<semaphore_mem>>
        %dma_start3A = arith.constant 9600 : i32
        %dma_start3A_55 = arith.constant 0 : i32
        %dma_start3A_56 = tpu.memref_slice %arg14[%arg0, %dma_start3A, %dma_start3A_55] : memref<2x10000x16xf32, #tpu.memory_space<hbm>> -> memref<1x400x16xf32, #tpu.memory_space<hbm>>
        %dma_start3A_57 = tpu.memref_squeeze %dma_start3A_56 : memref<1x400x16xf32, #tpu.memory_space<hbm>> -> memref<400x16xf32, #tpu.memory_space<hbm>>
        %dma_start3A_58 = arith.constant 9600 : i32
        %dma_start3A_59 = arith.constant 0 : i32
        %dma_start3A_60 = tpu.memref_slice %arg15[%dma_start3A_58, %dma_start3A_59] : memref<10240x16xf32, #tpu.memory_space<vmem_shared>> -> memref<400x16xf32, #tpu.memory_space<vmem_shared>>
        tpu.enqueue_dma source(%dma_start3A_60 : memref<400x16xf32, #tpu.memory_space<vmem_shared>>) target(%dma_start3A_57 : memref<400x16xf32, #tpu.memory_space<hbm>>) target_semaphore(%run_scoped3A : memref<!tpu.dma_semaphore, #tpu.memory_space<semaphore_mem>>)
        %dma_wait3A = arith.constant 9600 : i32
        %dma_wait3A_61 = arith.constant 0 : i32
        %dma_wait3A_62 = tpu.memref_slice %arg14[%arg0, %dma_wait3A, %dma_wait3A_61] : memref<2x10000x16xf32, #tpu.memory_space<hbm>> -> memref<1x400x16xf32, #tpu.memory_space<hbm>>
        %dma_wait3A_63 = tpu.memref_squeeze %dma_wait3A_62 : memref<1x400x16xf32, #tpu.memory_space<hbm>> -> memref<400x16xf32, #tpu.memory_space<hbm>>
        %dma_wait3A_64 = arith.constant 9600 : i32
        %dma_wait3A_65 = arith.constant 0 : i32
        %dma_wait3A_66 = tpu.memref_slice %arg15[%dma_wait3A_64, %dma_wait3A_65] : memref<10240x16xf32, #tpu.memory_space<vmem_shared>> -> memref<400x16xf32, #tpu.memory_space<vmem_shared>>
        tpu.wait_dma2 semaphore(%run_scoped3A : memref<!tpu.dma_semaphore, #tpu.memory_space<semaphore_mem>>) src(%dma_wait3A_66 : memref<400x16xf32, #tpu.memory_space<vmem_shared>>) dst(%dma_wait3A_63 : memref<400x16xf32, #tpu.memory_space<hbm>>)
        tpu.yield
      }) : () -> ()
    } else {
    }
    return
  }
}

module attributes {stable_mosaic.version = 14 : i64} {
  func.func @_tc1_body(%arg0: i32, %arg1: memref<2000x128xf32, #tpu.memory_space<vmem>>, %arg2: memref<2000x128xf32, #tpu.memory_space<vmem>>, %arg3: memref<128x128xf32, #tpu.memory_space<vmem>>, %arg4: memref<128x128xf32, #tpu.memory_space<vmem>>, %arg5: memref<128x128xf32, #tpu.memory_space<vmem>>, %arg6: memref<1x128xf32, #tpu.memory_space<vmem>>, %arg7: memref<1x128xf32, #tpu.memory_space<vmem>>, %arg8: memref<1x128xf32, #tpu.memory_space<vmem>>, %arg9: memref<2000x128xf32, #tpu.memory_space<vmem>>, %arg10: memref<2000x128xf32, #tpu.memory_space<vmem>>, %arg11: memref<2000x128xf32, #tpu.memory_space<vmem>>) attributes {dimension_semantics = [#tpu.dimension_semantics<arbitrary>], iteration_bounds = array<i64: 5>, scalar_prefetch = 0 : i64, scratch_operands = 0 : i64, tpu.core_type = #tpu.core_type<tc>, window_params = [{transform_indices = @transform_0, window_bounds = array<i64: 2000, 128>}, {transform_indices = @transform_1, window_bounds = array<i64: 2000, 128>}, {pipeline_mode = #tpu.pipeline_mode<synchronous>, transform_indices = @transform_2, window_bounds = array<i64: 128, 128>}, {pipeline_mode = #tpu.pipeline_mode<synchronous>, transform_indices = @transform_3, window_bounds = array<i64: 128, 128>}, {pipeline_mode = #tpu.pipeline_mode<synchronous>, transform_indices = @transform_4, window_bounds = array<i64: 128, 128>}, {pipeline_mode = #tpu.pipeline_mode<synchronous>, transform_indices = @transform_5, window_bounds = array<i64: 1, 128>}, {pipeline_mode = #tpu.pipeline_mode<synchronous>, transform_indices = @transform_6, window_bounds = array<i64: 1, 128>}, {pipeline_mode = #tpu.pipeline_mode<synchronous>, transform_indices = @transform_7, window_bounds = array<i64: 1, 128>}, {transform_indices = @transform_8, window_bounds = array<i64: 2000, 128>}, {transform_indices = @transform_9, window_bounds = array<i64: 2000, 128>}, {transform_indices = @transform_10, window_bounds = array<i64: 2000, 128>}]} {
    %get3A = arith.constant 0 : index
    %get3A_0 = arith.constant 0 : index
    %get3A_1 = vector.load %arg1[%get3A, %get3A_0] : memref<2000x128xf32, #tpu.memory_space<vmem>>, vector<2000x128xf32>
    %get3A_2 = arith.constant 0 : index
    %get3A_3 = arith.constant 0 : index
    %get3A_4 = vector.load %arg3[%get3A_2, %get3A_3] : memref<128x128xf32, #tpu.memory_space<vmem>>, vector<128x128xf32>
    %dot_general3A = arith.constant dense<0.000000e+00> : vector<2000x128xf32>
    %dot_general3A_5 = tpu.matmul %get3A_1, %get3A_4, %dot_general3A {dimension_numbers = #tpu.dot_dimension_numbers<[1], [0], [0], [1], [0, 0, 1, 1], [], []>, transpose_lhs_hint = false} : vector<2000x128xf32>, vector<128x128xf32>, vector<2000x128xf32> -> vector<2000x128xf32>
    %get3A_6 = arith.constant 0 : index
    %get3A_7 = arith.constant 0 : index
    %get3A_8 = vector.load %arg6[%get3A_6, %get3A_7] : memref<1x128xf32, #tpu.memory_space<vmem>>, vector<1x128xf32>
    %add3A = vector.broadcast %get3A_8 : vector<1x128xf32> to vector<2000x128xf32>
    %add3A_9 = arith.addf %dot_general3A_5, %add3A : vector<2000x128xf32>
    %swap3A = arith.constant 0 : index
    %swap3A_10 = arith.constant 0 : index
    %swap3A_11 = vector.load %arg9[%swap3A, %swap3A_10] : memref<2000x128xf32, #tpu.memory_space<vmem>>, vector<2000x128xf32>
    tpu.vector_store %arg9[%swap3A, %swap3A_10], %add3A_9 {strides = array<i32>} : memref<2000x128xf32, #tpu.memory_space<vmem>>, vector<2000x128xf32>,
    %get3A_12 = arith.constant 0 : index
    %get3A_13 = arith.constant 0 : index
    %get3A_14 = vector.load %arg4[%get3A_12, %get3A_13] : memref<128x128xf32, #tpu.memory_space<vmem>>, vector<128x128xf32>
    %dot_general3A_15 = arith.constant dense<0.000000e+00> : vector<2000x128xf32>
    %dot_general3A_16 = tpu.matmul %get3A_1, %get3A_14, %dot_general3A_15 {dimension_numbers = #tpu.dot_dimension_numbers<[1], [0], [0], [1], [0, 0, 1, 1], [], []>, transpose_lhs_hint = false} : vector<2000x128xf32>, vector<128x128xf32>, vector<2000x128xf32> -> vector<2000x128xf32>
    %get3A_17 = arith.constant 0 : index
    %get3A_18 = arith.constant 0 : index
    %get3A_19 = vector.load %arg7[%get3A_17, %get3A_18] : memref<1x128xf32, #tpu.memory_space<vmem>>, vector<1x128xf32>
    %add3A_20 = vector.broadcast %get3A_19 : vector<1x128xf32> to vector<2000x128xf32>
    %add3A_21 = arith.addf %dot_general3A_16, %add3A_20 : vector<2000x128xf32>
    %swap3A_22 = arith.constant 0 : index
    %swap3A_23 = arith.constant 0 : index
    %swap3A_24 = vector.load %arg10[%swap3A_22, %swap3A_23] : memref<2000x128xf32, #tpu.memory_space<vmem>>, vector<2000x128xf32>
    tpu.vector_store %arg10[%swap3A_22, %swap3A_23], %add3A_21 {strides = array<i32>} : memref<2000x128xf32, #tpu.memory_space<vmem>>, vector<2000x128xf32>,
    %get3A_25 = arith.constant 0 : index
    %get3A_26 = arith.constant 0 : index
    %get3A_27 = vector.load %arg2[%get3A_25, %get3A_26] : memref<2000x128xf32, #tpu.memory_space<vmem>>, vector<2000x128xf32>
    %get3A_28 = arith.constant 0 : index
    %get3A_29 = arith.constant 0 : index
    %get3A_30 = vector.load %arg5[%get3A_28, %get3A_29] : memref<128x128xf32, #tpu.memory_space<vmem>>, vector<128x128xf32>
    %dot_general3A_31 = arith.constant dense<0.000000e+00> : vector<2000x128xf32>
    %dot_general3A_32 = tpu.matmul %get3A_27, %get3A_30, %dot_general3A_31 {dimension_numbers = #tpu.dot_dimension_numbers<[1], [0], [0], [1], [0, 0, 1, 1], [], []>, transpose_lhs_hint = false} : vector<2000x128xf32>, vector<128x128xf32>, vector<2000x128xf32> -> vector<2000x128xf32>
    %get3A_33 = arith.constant 0 : index
    %get3A_34 = arith.constant 0 : index
    %get3A_35 = vector.load %arg8[%get3A_33, %get3A_34] : memref<1x128xf32, #tpu.memory_space<vmem>>, vector<1x128xf32>
    %add3A_36 = vector.broadcast %get3A_35 : vector<1x128xf32> to vector<2000x128xf32>
    %add3A_37 = arith.addf %dot_general3A_32, %add3A_36 : vector<2000x128xf32>
    %swap3A_38 = arith.constant 0 : index
    %swap3A_39 = arith.constant 0 : index
    %swap3A_40 = vector.load %arg11[%swap3A_38, %swap3A_39] : memref<2000x128xf32, #tpu.memory_space<vmem>>, vector<2000x128xf32>
    tpu.vector_store %arg11[%swap3A_38, %swap3A_39], %add3A_37 {strides = array<i32>} : memref<2000x128xf32, #tpu.memory_space<vmem>>, vector<2000x128xf32>,
    return
  }
  func.func @transform_0(%arg0: i32) -> (i32, i32) {
    %c0_i32 = arith.constant 0 : i32
    %c0_i32_0 = arith.constant 0 : i32
    return %arg0, %c0_i32 : i32, i32
  }
  func.func @transform_1(%arg0: i32) -> (i32, i32) {
    %c0_i32 = arith.constant 0 : i32
    %c0_i32_0 = arith.constant 0 : i32
    return %arg0, %c0_i32 : i32, i32
  }
  func.func @transform_2(%arg0: i32) -> (i32, i32) {
    %c0_i32 = arith.constant 0 : i32
    %c0_i32_0 = arith.constant 0 : i32
    %c0_i32_1 = arith.constant 0 : i32
    return %c0_i32, %c0_i32_0 : i32, i32
  }
  func.func @transform_3(%arg0: i32) -> (i32, i32) {
    %c0_i32 = arith.constant 0 : i32
    %c0_i32_0 = arith.constant 0 : i32
    %c0_i32_1 = arith.constant 0 : i32
    return %c0_i32, %c0_i32_0 : i32, i32
  }
  func.func @transform_4(%arg0: i32) -> (i32, i32) {
    %c0_i32 = arith.constant 0 : i32
    %c0_i32_0 = arith.constant 0 : i32
    %c0_i32_1 = arith.constant 0 : i32
    return %c0_i32, %c0_i32_0 : i32, i32
  }
  func.func @transform_5(%arg0: i32) -> (i32, i32) {
    %c0_i32 = arith.constant 0 : i32
    %c0_i32_0 = arith.constant 0 : i32
    %c0_i32_1 = arith.constant 0 : i32
    return %c0_i32, %c0_i32_0 : i32, i32
  }
  func.func @transform_6(%arg0: i32) -> (i32, i32) {
    %c0_i32 = arith.constant 0 : i32
    %c0_i32_0 = arith.constant 0 : i32
    %c0_i32_1 = arith.constant 0 : i32
    return %c0_i32, %c0_i32_0 : i32, i32
  }
  func.func @transform_7(%arg0: i32) -> (i32, i32) {
    %c0_i32 = arith.constant 0 : i32
    %c0_i32_0 = arith.constant 0 : i32
    %c0_i32_1 = arith.constant 0 : i32
    return %c0_i32, %c0_i32_0 : i32, i32
  }
  func.func @transform_8(%arg0: i32) -> (i32, i32) {
    %c0_i32 = arith.constant 0 : i32
    %c0_i32_0 = arith.constant 0 : i32
    return %arg0, %c0_i32 : i32, i32
  }
  func.func @transform_9(%arg0: i32) -> (i32, i32) {
    %c0_i32 = arith.constant 0 : i32
    %c0_i32_0 = arith.constant 0 : i32
    return %arg0, %c0_i32 : i32, i32
  }
  func.func @transform_10(%arg0: i32) -> (i32, i32) {
    %c0_i32 = arith.constant 0 : i32
    %c0_i32_0 = arith.constant 0 : i32
    return %arg0, %c0_i32 : i32, i32
  }
}

module attributes {stable_mosaic.version = 14 : i64} {
  func.func @_tc2_body(%arg0: i32, %arg1: memref<2x2000x128xf32, #tpu.memory_space<vmem>>, %arg2: memref<2x2000x128xf32, #tpu.memory_space<vmem>>, %arg3: memref<2x2000x128xf32, #tpu.memory_space<vmem>>, %arg4: memref<128x16xf32, #tpu.memory_space<vmem>>, %arg5: memref<128x16xf32, #tpu.memory_space<vmem>>, %arg6: memref<128x16xf32, #tpu.memory_space<vmem>>, %arg7: memref<1x16xf32, #tpu.memory_space<vmem>>, %arg8: memref<1x16xf32, #tpu.memory_space<vmem>>, %arg9: memref<1x16xf32, #tpu.memory_space<vmem>>, %arg10: memref<2000x16xf32, #tpu.memory_space<vmem>>, %arg11: memref<2000x16xf32, #tpu.memory_space<vmem>>, %arg12: memref<2000x16xf32, #tpu.memory_space<vmem>>) attributes {dimension_semantics = [#tpu.dimension_semantics<arbitrary>], iteration_bounds = array<i64: 5>, scalar_prefetch = 0 : i64, scratch_operands = 0 : i64, tpu.core_type = #tpu.core_type<tc>, window_params = [{transform_indices = @transform_0, window_bounds = array<i64: 2, 2000, 128>}, {transform_indices = @transform_1, window_bounds = array<i64: 2, 2000, 128>}, {transform_indices = @transform_2, window_bounds = array<i64: 2, 2000, 128>}, {pipeline_mode = #tpu.pipeline_mode<synchronous>, transform_indices = @transform_3, window_bounds = array<i64: 128, 16>}, {pipeline_mode = #tpu.pipeline_mode<synchronous>, transform_indices = @transform_4, window_bounds = array<i64: 128, 16>}, {pipeline_mode = #tpu.pipeline_mode<synchronous>, transform_indices = @transform_5, window_bounds = array<i64: 128, 16>}, {pipeline_mode = #tpu.pipeline_mode<synchronous>, transform_indices = @transform_6, window_bounds = array<i64: 1, 16>}, {pipeline_mode = #tpu.pipeline_mode<synchronous>, transform_indices = @transform_7, window_bounds = array<i64: 1, 16>}, {pipeline_mode = #tpu.pipeline_mode<synchronous>, transform_indices = @transform_8, window_bounds = array<i64: 1, 16>}, {transform_indices = @transform_9, window_bounds = array<i64: 2000, 16>}, {transform_indices = @transform_10, window_bounds = array<i64: 2000, 16>}, {transform_indices = @transform_11, window_bounds = array<i64: 2000, 16>}]} {
    %get3A = arith.constant 0 : index
    %get3A_0 = arith.constant 0 : index
    %get3A_1 = arith.constant 0 : index
    %get3A_2 = vector.load %arg1[%get3A, %get3A_0, %get3A_1] : memref<2x2000x128xf32, #tpu.memory_space<vmem>>, vector<1x2000x128xf32>
    %get3A_3 = vector.shape_cast %get3A_2 : vector<1x2000x128xf32> to vector<2000x128xf32>
    %get3A_4 = arith.constant 1 : index
    %get3A_5 = arith.constant 0 : index
    %get3A_6 = arith.constant 0 : index
    %get3A_7 = vector.load %arg1[%get3A_4, %get3A_5, %get3A_6] : memref<2x2000x128xf32, #tpu.memory_space<vmem>>, vector<1x2000x128xf32>
    %get3A_8 = vector.shape_cast %get3A_7 : vector<1x2000x128xf32> to vector<2000x128xf32>
    %add3A = arith.addf %get3A_3, %get3A_8 : vector<2000x128xf32>
    %get3A_9 = arith.constant 0 : index
    %get3A_10 = arith.constant 0 : index
    %get3A_11 = arith.constant 0 : index
    %get3A_12 = vector.load %arg2[%get3A_9, %get3A_10, %get3A_11] : memref<2x2000x128xf32, #tpu.memory_space<vmem>>, vector<1x2000x128xf32>
    %get3A_13 = vector.shape_cast %get3A_12 : vector<1x2000x128xf32> to vector<2000x128xf32>
    %get3A_14 = arith.constant 1 : index
    %get3A_15 = arith.constant 0 : index
    %get3A_16 = arith.constant 0 : index
    %get3A_17 = vector.load %arg2[%get3A_14, %get3A_15, %get3A_16] : memref<2x2000x128xf32, #tpu.memory_space<vmem>>, vector<1x2000x128xf32>
    %get3A_18 = vector.shape_cast %get3A_17 : vector<1x2000x128xf32> to vector<2000x128xf32>
    %add3A_19 = arith.addf %get3A_13, %get3A_18 : vector<2000x128xf32>
    %get3A_20 = arith.constant 0 : index
    %get3A_21 = arith.constant 0 : index
    %get3A_22 = arith.constant 0 : index
    %get3A_23 = vector.load %arg3[%get3A_20, %get3A_21, %get3A_22] : memref<2x2000x128xf32, #tpu.memory_space<vmem>>, vector<1x2000x128xf32>
    %get3A_24 = vector.shape_cast %get3A_23 : vector<1x2000x128xf32> to vector<2000x128xf32>
    %get3A_25 = arith.constant 1 : index
    %get3A_26 = arith.constant 0 : index
    %get3A_27 = arith.constant 0 : index
    %get3A_28 = vector.load %arg3[%get3A_25, %get3A_26, %get3A_27] : memref<2x2000x128xf32, #tpu.memory_space<vmem>>, vector<1x2000x128xf32>
    %get3A_29 = vector.shape_cast %get3A_28 : vector<1x2000x128xf32> to vector<2000x128xf32>
    %add3A_30 = arith.addf %get3A_24, %get3A_29 : vector<2000x128xf32>
    %max3A = arith.constant 0.000000e+00 : f32
    %max3A_31 = vector.broadcast %max3A : f32 to vector<2000x128xf32>
    %max3A_32 = arith.maximumf %add3A, %max3A_31 : vector<2000x128xf32>
    %add3A_33 = arith.addf %max3A_32, %add3A_30 : vector<2000x128xf32>
    %max3A_34 = arith.constant 0.000000e+00 : f32
    %max3A_35 = vector.broadcast %max3A_34 : f32 to vector<2000x128xf32>
    %max3A_36 = arith.maximumf %add3A_33, %max3A_35 : vector<2000x128xf32>
    %max3A_37 = arith.constant 0.000000e+00 : f32
    %max3A_38 = vector.broadcast %max3A_37 : f32 to vector<2000x128xf32>
    %max3A_39 = arith.maximumf %add3A_19, %max3A_38 : vector<2000x128xf32>
    %get3A_40 = arith.constant 0 : index
    %get3A_41 = arith.constant 0 : index
    %get3A_42 = vector.load %arg4[%get3A_40, %get3A_41] : memref<128x16xf32, #tpu.memory_space<vmem>>, vector<128x16xf32>
    %dot_general3A = arith.constant dense<0.000000e+00> : vector<2000x16xf32>
    %dot_general3A_43 = tpu.matmul %max3A_36, %get3A_42, %dot_general3A {dimension_numbers = #tpu.dot_dimension_numbers<[1], [0], [0], [1], [0, 0, 1, 1], [], []>, transpose_lhs_hint = false} : vector<2000x128xf32>, vector<128x16xf32>, vector<2000x16xf32> -> vector<2000x16xf32>
    %get3A_44 = arith.constant 0 : index
    %get3A_45 = arith.constant 0 : index
    %get3A_46 = vector.load %arg7[%get3A_44, %get3A_45] : memref<1x16xf32, #tpu.memory_space<vmem>>, vector<1x16xf32>
    %add3A_47 = vector.broadcast %get3A_46 : vector<1x16xf32> to vector<2000x16xf32>
    %add3A_48 = arith.addf %dot_general3A_43, %add3A_47 : vector<2000x16xf32>
    %swap3A = arith.constant 0 : index
    %swap3A_49 = arith.constant 0 : index
    %swap3A_50 = vector.load %arg10[%swap3A, %swap3A_49] : memref<2000x16xf32, #tpu.memory_space<vmem>>, vector<2000x16xf32>
    tpu.vector_store %arg10[%swap3A, %swap3A_49], %add3A_48 {strides = array<i32>} : memref<2000x16xf32, #tpu.memory_space<vmem>>, vector<2000x16xf32>,
    %get3A_51 = arith.constant 0 : index
    %get3A_52 = arith.constant 0 : index
    %get3A_53 = vector.load %arg5[%get3A_51, %get3A_52] : memref<128x16xf32, #tpu.memory_space<vmem>>, vector<128x16xf32>
    %dot_general3A_54 = arith.constant dense<0.000000e+00> : vector<2000x16xf32>
    %dot_general3A_55 = tpu.matmul %max3A_36, %get3A_53, %dot_general3A_54 {dimension_numbers = #tpu.dot_dimension_numbers<[1], [0], [0], [1], [0, 0, 1, 1], [], []>, transpose_lhs_hint = false} : vector<2000x128xf32>, vector<128x16xf32>, vector<2000x16xf32> -> vector<2000x16xf32>
    %get3A_56 = arith.constant 0 : index
    %get3A_57 = arith.constant 0 : index
    %get3A_58 = vector.load %arg8[%get3A_56, %get3A_57] : memref<1x16xf32, #tpu.memory_space<vmem>>, vector<1x16xf32>
    %add3A_59 = vector.broadcast %get3A_58 : vector<1x16xf32> to vector<2000x16xf32>
    %add3A_60 = arith.addf %dot_general3A_55, %add3A_59 : vector<2000x16xf32>
    %swap3A_61 = arith.constant 0 : index
    %swap3A_62 = arith.constant 0 : index
    %swap3A_63 = vector.load %arg11[%swap3A_61, %swap3A_62] : memref<2000x16xf32, #tpu.memory_space<vmem>>, vector<2000x16xf32>
    tpu.vector_store %arg11[%swap3A_61, %swap3A_62], %add3A_60 {strides = array<i32>} : memref<2000x16xf32, #tpu.memory_space<vmem>>, vector<2000x16xf32>,
    %get3A_64 = arith.constant 0 : index
    %get3A_65 = arith.constant 0 : index
    %get3A_66 = vector.load %arg6[%get3A_64, %get3A_65] : memref<128x16xf32, #tpu.memory_space<vmem>>, vector<128x16xf32>
    %dot_general3A_67 = arith.constant dense<0.000000e+00> : vector<2000x16xf32>
    %dot_general3A_68 = tpu.matmul %max3A_39, %get3A_66, %dot_general3A_67 {dimension_numbers = #tpu.dot_dimension_numbers<[1], [0], [0], [1], [0, 0, 1, 1], [], []>, transpose_lhs_hint = false} : vector<2000x128xf32>, vector<128x16xf32>, vector<2000x16xf32> -> vector<2000x16xf32>
    %get3A_69 = arith.constant 0 : index
    %get3A_70 = arith.constant 0 : index
    %get3A_71 = vector.load %arg9[%get3A_69, %get3A_70] : memref<1x16xf32, #tpu.memory_space<vmem>>, vector<1x16xf32>
    %add3A_72 = vector.broadcast %get3A_71 : vector<1x16xf32> to vector<2000x16xf32>
    %add3A_73 = arith.addf %dot_general3A_68, %add3A_72 : vector<2000x16xf32>
    %swap3A_74 = arith.constant 0 : index
    %swap3A_75 = arith.constant 0 : index
    %swap3A_76 = vector.load %arg12[%swap3A_74, %swap3A_75] : memref<2000x16xf32, #tpu.memory_space<vmem>>, vector<2000x16xf32>
    tpu.vector_store %arg12[%swap3A_74, %swap3A_75], %add3A_73 {strides = array<i32>} : memref<2000x16xf32, #tpu.memory_space<vmem>>, vector<2000x16xf32>,
    return
  }
  func.func @transform_0(%arg0: i32) -> (i32, i32, i32) {
    %c0_i32 = arith.constant 0 : i32
    %c0_i32_0 = arith.constant 0 : i32
    %c0_i32_1 = arith.constant 0 : i32
    return %c0_i32, %arg0, %c0_i32_0 : i32, i32, i32
  }
  func.func @transform_1(%arg0: i32) -> (i32, i32, i32) {
    %c0_i32 = arith.constant 0 : i32
    %c0_i32_0 = arith.constant 0 : i32
    %c0_i32_1 = arith.constant 0 : i32
    return %c0_i32, %arg0, %c0_i32_0 : i32, i32, i32
  }
  func.func @transform_2(%arg0: i32) -> (i32, i32, i32) {
    %c0_i32 = arith.constant 0 : i32
    %c0_i32_0 = arith.constant 0 : i32
    %c0_i32_1 = arith.constant 0 : i32
    return %c0_i32, %arg0, %c0_i32_0 : i32, i32, i32
  }
  func.func @transform_3(%arg0: i32) -> (i32, i32) {
    %c0_i32 = arith.constant 0 : i32
    %c0_i32_0 = arith.constant 0 : i32
    %c0_i32_1 = arith.constant 0 : i32
    return %c0_i32, %c0_i32_0 : i32, i32
  }
  func.func @transform_4(%arg0: i32) -> (i32, i32) {
    %c0_i32 = arith.constant 0 : i32
    %c0_i32_0 = arith.constant 0 : i32
    %c0_i32_1 = arith.constant 0 : i32
    return %c0_i32, %c0_i32_0 : i32, i32
  }
  func.func @transform_5(%arg0: i32) -> (i32, i32) {
    %c0_i32 = arith.constant 0 : i32
    %c0_i32_0 = arith.constant 0 : i32
    %c0_i32_1 = arith.constant 0 : i32
    return %c0_i32, %c0_i32_0 : i32, i32
  }
  func.func @transform_6(%arg0: i32) -> (i32, i32) {
    %c0_i32 = arith.constant 0 : i32
    %c0_i32_0 = arith.constant 0 : i32
    %c0_i32_1 = arith.constant 0 : i32
    return %c0_i32, %c0_i32_0 : i32, i32
  }
  func.func @transform_7(%arg0: i32) -> (i32, i32) {
    %c0_i32 = arith.constant 0 : i32
    %c0_i32_0 = arith.constant 0 : i32
    %c0_i32_1 = arith.constant 0 : i32
    return %c0_i32, %c0_i32_0 : i32, i32
  }
  func.func @transform_8(%arg0: i32) -> (i32, i32) {
    %c0_i32 = arith.constant 0 : i32
    %c0_i32_0 = arith.constant 0 : i32
    %c0_i32_1 = arith.constant 0 : i32
    return %c0_i32, %c0_i32_0 : i32, i32
  }
  func.func @transform_9(%arg0: i32) -> (i32, i32) {
    %c0_i32 = arith.constant 0 : i32
    %c0_i32_0 = arith.constant 0 : i32
    return %arg0, %c0_i32 : i32, i32
  }
  func.func @transform_10(%arg0: i32) -> (i32, i32) {
    %c0_i32 = arith.constant 0 : i32
    %c0_i32_0 = arith.constant 0 : i32
    return %arg0, %c0_i32 : i32, i32
  }
  func.func @transform_11(%arg0: i32) -> (i32, i32) {
    %c0_i32 = arith.constant 0 : i32
    %c0_i32_0 = arith.constant 0 : i32
    return %arg0, %c0_i32 : i32, i32
  }
}

module attributes {stable_mosaic.version = 14 : i64} {
  func.func @_tc3_body(%arg0: memref<2x1250x128xf32, #tpu.memory_space<vmem>>, %arg1: memref<2x1250x128xf32, #tpu.memory_space<vmem>>, %arg2: memref<2x1250x128xf32, #tpu.memory_space<vmem>>, %arg3: memref<1250x128xf32, #tpu.memory_space<vmem>>, %arg4: memref<1250x128xf32, #tpu.memory_space<vmem>>) attributes {dimension_semantics = [], scalar_prefetch = 0 : i64, scratch_operands = 0 : i64, tpu.core_type = #tpu.core_type<tc>} {
    %get3A = arith.constant 0 : index
    %get3A_0 = arith.constant 0 : index
    %get3A_1 = arith.constant 0 : index
    %get3A_2 = vector.load %arg0[%get3A, %get3A_0, %get3A_1] : memref<2x1250x128xf32, #tpu.memory_space<vmem>>, vector<1x1250x128xf32>
    %get3A_3 = vector.shape_cast %get3A_2 : vector<1x1250x128xf32> to vector<1250x128xf32>
    %get3A_4 = arith.constant 1 : index
    %get3A_5 = arith.constant 0 : index
    %get3A_6 = arith.constant 0 : index
    %get3A_7 = vector.load %arg0[%get3A_4, %get3A_5, %get3A_6] : memref<2x1250x128xf32, #tpu.memory_space<vmem>>, vector<1x1250x128xf32>
    %get3A_8 = vector.shape_cast %get3A_7 : vector<1x1250x128xf32> to vector<1250x128xf32>
    %add3A = arith.addf %get3A_3, %get3A_8 : vector<1250x128xf32>
    %get3A_9 = arith.constant 0 : index
    %get3A_10 = arith.constant 0 : index
    %get3A_11 = arith.constant 0 : index
    %get3A_12 = vector.load %arg1[%get3A_9, %get3A_10, %get3A_11] : memref<2x1250x128xf32, #tpu.memory_space<vmem>>, vector<1x1250x128xf32>
    %get3A_13 = vector.shape_cast %get3A_12 : vector<1x1250x128xf32> to vector<1250x128xf32>
    %get3A_14 = arith.constant 1 : index
    %get3A_15 = arith.constant 0 : index
    %get3A_16 = arith.constant 0 : index
    %get3A_17 = vector.load %arg1[%get3A_14, %get3A_15, %get3A_16] : memref<2x1250x128xf32, #tpu.memory_space<vmem>>, vector<1x1250x128xf32>
    %get3A_18 = vector.shape_cast %get3A_17 : vector<1x1250x128xf32> to vector<1250x128xf32>
    %add3A_19 = arith.addf %get3A_13, %get3A_18 : vector<1250x128xf32>
    %get3A_20 = arith.constant 0 : index
    %get3A_21 = arith.constant 0 : index
    %get3A_22 = arith.constant 0 : index
    %get3A_23 = vector.load %arg2[%get3A_20, %get3A_21, %get3A_22] : memref<2x1250x128xf32, #tpu.memory_space<vmem>>, vector<1x1250x128xf32>
    %get3A_24 = vector.shape_cast %get3A_23 : vector<1x1250x128xf32> to vector<1250x128xf32>
    %get3A_25 = arith.constant 1 : index
    %get3A_26 = arith.constant 0 : index
    %get3A_27 = arith.constant 0 : index
    %get3A_28 = vector.load %arg2[%get3A_25, %get3A_26, %get3A_27] : memref<2x1250x128xf32, #tpu.memory_space<vmem>>, vector<1x1250x128xf32>
    %get3A_29 = vector.shape_cast %get3A_28 : vector<1x1250x128xf32> to vector<1250x128xf32>
    %add3A_30 = arith.addf %get3A_24, %get3A_29 : vector<1250x128xf32>
    %max3A = arith.constant 0.000000e+00 : f32
    %max3A_31 = vector.broadcast %max3A : f32 to vector<1250x128xf32>
    %max3A_32 = arith.maximumf %add3A, %max3A_31 : vector<1250x128xf32>
    %add3A_33 = arith.addf %max3A_32, %add3A_30 : vector<1250x128xf32>
    %max3A_34 = arith.constant 0.000000e+00 : f32
    %max3A_35 = vector.broadcast %max3A_34 : f32 to vector<1250x128xf32>
    %max3A_36 = arith.maximumf %add3A_33, %max3A_35 : vector<1250x128xf32>
    %swap3A = arith.constant 0 : index
    %swap3A_37 = arith.constant 0 : index
    %swap3A_38 = vector.load %arg3[%swap3A, %swap3A_37] : memref<1250x128xf32, #tpu.memory_space<vmem>>, vector<1250x128xf32>
    tpu.vector_store %arg3[%swap3A, %swap3A_37], %max3A_36 {strides = array<i32>} : memref<1250x128xf32, #tpu.memory_space<vmem>>, vector<1250x128xf32>,
    %max3A_39 = arith.constant 0.000000e+00 : f32
    %max3A_40 = vector.broadcast %max3A_39 : f32 to vector<1250x128xf32>
    %max3A_41 = arith.maximumf %add3A_19, %max3A_40 : vector<1250x128xf32>
    %swap3A_42 = arith.constant 0 : index
    %swap3A_43 = arith.constant 0 : index
    %swap3A_44 = vector.load %arg4[%swap3A_42, %swap3A_43] : memref<1250x128xf32, #tpu.memory_space<vmem>>, vector<1250x128xf32>
    tpu.vector_store %arg4[%swap3A_42, %swap3A_43], %max3A_41 {strides = array<i32>} : memref<1250x128xf32, #tpu.memory_space<vmem>>, vector<1250x128xf32>,
    return
  }
}

</mosaic_0001>

<sc_bundles>
// kernel: kernel.10.cloned.1.call-start
scs
__scs_entry_jumppad:
0x0: {  	(pc) =	sbr.rel $0x88, $3  }
0x1: {  	(tag) =	ssettag $0x0;
	lr =	simm.s32 $0x1  }
0x2: {  	[smem:$0x3F90] =	sst lr;
	_ =	strace $0xD0000000  }
0x3: {  	_ = 	snop  }
0x4: {  	_ = 	snop  }
0x5: {  	_ = 	snop  }
0x6: {  	_ = 	snop  }
0x7: {  	_ = 	snop  }
__scs_overlays_trampoline_lowered:
0x8: {  	[smem:$0x3F9F] =	sst s0  }
0x9: {  	[smem:$0x3FA0] =	sst s1  }
0xa: {  	[smem:$0x3FA1] =	sst s2  }
0xb: {  	[smem:$0x3FA2] =	sst s3  }
0xc: {  	[smem:$0x3FA3] =	sst s4  }
0xd: {  	[smem:$0x3FA4] =	sst s5  }
0xe: {  	[smem:$0x3FA5] =	sst s6  }
0xf: {  	[smem:$0x3FA6] =	sst s7  }
0x10: {  	[smem:$0x3FA7] =	sst s8  }
0x11: {  	[smem:$0x3FA8] =	sst s9;
	s0 =	simm.s32 @!p0 $0x0  }
0x12: {  	s1 =	sld [smem:$0x3F8E];
	s0 =	simm.s32 @p0 $0x1  }
0x13: {  	[smem:$0x3FA9] =	sst s0;
	s0 =	simm.s32 @!p1 $0x0  }
0x14: {  	s2 =	sld [smem:$0x3F8D];
	s0 =	simm.s32 @p1 $0x1  }
0x15: {  	[smem:$0x3FAA] =	sst s0;
	s0 =	simm.s32 @!p2 $0x0  }
0x16: {  	s3 =	sld [smem:$0x3FDB];
	s0 =	simm.s32 @p2 $0x1  }
0x17: {  	s4 =	simm.s32 $0x1BF5;
	[smem:$0x3FAC] =	sst s0  }
0x18: {  	s0 =	sld [smem:$0x3F8F];
	_ =	swait.ge [sflag:s4], $0x0  }
0x19: {  	s7 =	sld [smem:$0x3F90]  }
0x1a: {  	s8 =	sadd.s32 $0xFFFFE003, lr  }
0x1b: {  	s9 =	sadd.s32 $0xFFFFFEF7, lr;
	s5 =	simm.s32 $0xFFFFFFFF;
	p2 =	slt.u32 s8, $0xFFFFF086  }
0x1c: {  	p1 =	slt.u32 s9, $0xF7A;
	s5 =	simm.s32 @!p2 $0x0  }
0x1d: {  	s5 =	simm.s32 @p1 $0x1;
	p0 =	seq.s32 s7, s2  }
0x1e: {  	s7 =	smul.u32 @!p0 $0xF7A, s2;
	p2 =	seq.s32 @!p0 s5, $0x0  }
0x1f: {  	s9 =	smul.u32 $0xF7A, s1;
	s8 =	simm.s32 @!p0 $0x1BF5;
	p2 =	por !p2, p0  }
0x20: {  	[sflag:s8] =	ssyncset.s32 @!p0 $0xFFFFF086;
	s6 =	sadd.s32 @!p0 s3, s7;
	s7 =	simm.s32 @!p0 $0x108  }
0x21: {  	s3 =	sadd.s32 s3, s9;
	s6 =	sadd.s32 @!p0 $0x88, s6;
	s7 =	simm.s32 @p2 $0x1082  }
0x22: {  	[simem:s7], [sflag:s8] =	dma.local @!p0 [hbm:s6], $0xF7A  }
0x23: {  	s9 =	sor.u32 $0xD0000000, s2;
	s6 =	simm.s32 $0x108;
	_ =	swait.ge @!p0 [sflag:s8], $0x0  }
0x24: {  	s3 =	sadd.s32 $0x88, s3;
	s6 =	simm.s32 @!p1 $0x1082;
	[sflag:s4] =	ssyncset.s32 $0xFFFFF086  }
0x25: {  	[simem:s6], [sflag:s4] =	dma.local [hbm:s3], $0xF7A  }
0x26: {  	[smem:$0x3F90] =	sst s1;
	(tag) =	ssettag s2;
	_ =	strace s9  }
0x27: {  	s1 =	sld [smem:$0x3FA0]  }
0x28: {  	s2 =	sld [smem:$0x3FA1]  }
0x29: {  	s4 =	sld [smem:$0x3FA3]  }
0x2a: {  	p0 =	seq.s32 s5, $0x0;
	s5 =	sld [smem:$0x3FA4]  }
0x2b: {  	s6 =	sld [smem:$0x3FA5]  }
0x2c: {  	s7 =	sld [smem:$0x3FA6]  }
0x2d: {  	s3 =	simm.s32 $0x108;
	s8 =	sld [smem:$0x3FA7]  }
0x2e: {  	s3 =	simm.s32 @!p0 $0x1082;
	s9 =	sld [smem:$0x3FA8]  }
0x2f: {  	lr =	sadd.s32 s0, s3;
	s0 =	sld [smem:$0x3F9F]  }
0x30: {  	s3 =	sld [smem:$0x3FA2]  }
0x31: {  	[smem:$0x3FAB] =	sst s10  }
0x32: {  	s10 =	sld [smem:$0x3FA9];
	_ =	sdelay $0x3  }
0x33: {  	p0 =	seq.s32 s10, $0x1;
	s10 =	sld [smem:$0x3FAB];
	_ =	sdelay $0x3  }
0x34: {  	[smem:$0x3FAB] =	sst s10  }
0x35: {  	s10 =	sld [smem:$0x3FAA];
	_ =	sdelay $0x3  }
0x36: {  	p1 =	seq.s32 s10, $0x1;
	s10 =	sld [smem:$0x3FAB];
	_ =	sdelay $0x3  }
0x37: {  	[smem:$0x3FAB] =	sst s10  }
0x38: {  	s10 =	sld [smem:$0x3FAC]  }
0x39: {  	_ = 	snop;
	(pc) =	sbr.ind lr, $3  }
0x3a: {  	_ = 	snop  }
0x3b: {  	_ = 	snop  }
0x3c: {  	p2 =	seq.s32 s10, $0x1;
	s10 =	sld [smem:$0x3FAB]  }
0x3d: {  	_ =	shalt  }
0x3e: {  	_ =	shalt  }
0x3f: {  	_ =	shalt  }
0x40: {  	_ =	shalt  }
0x41: {  	_ =	shalt  }
0x42: {  	_ =	shalt  }
0x43: {  	_ =	shalt  }
0x44: {  	_ =	shalt  }
0x45: {  	_ =	shalt  }
0x46: {  	_ =	shalt  }
0x47: {  	_ =	shalt  }
0x48: {  	_ =	shalt  }
0x49: {  	_ =	shalt  }
0x4a: {  	_ =	shalt  }
0x4b: {  	_ =	shalt  }
0x4c: {  	_ =	shalt  }
0x4d: {  	_ =	shalt  }
0x4e: {  	_ =	shalt  }
0x4f: {  	_ =	shalt  }
0x50: {  	_ =	shalt  }
0x51: {  	_ =	shalt  }
0x52: {  	_ =	shalt  }
0x53: {  	_ =	shalt  }
0x54: {  	_ =	shalt  }
0x55: {  	_ =	shalt  }
0x56: {  	_ =	shalt  }
0x57: {  	_ =	shalt  }
0x58: {  	_ =	shalt  }
0x59: {  	_ =	shalt  }
0x5a: {  	_ =	shalt  }
0x5b: {  	_ =	shalt  }
0x5c: {  	_ =	shalt  }
0x5d: {  	_ =	shalt  }
0x5e: {  	_ =	shalt  }
0x5f: {  	_ =	shalt  }
0x60: {  	_ =	shalt  }
0x61: {  	_ =	shalt  }
0x62: {  	_ =	shalt  }
0x63: {  	_ =	shalt  }
0x64: {  	_ =	shalt  }
0x65: {  	_ =	shalt  }
0x66: {  	_ =	shalt  }
0x67: {  	_ =	shalt  }
0x68: {  	_ =	shalt  }
0x69: {  	_ =	shalt  }
0x6a: {  	_ =	shalt  }
0x6b: {  	_ =	shalt  }
0x6c: {  	_ =	shalt  }
0x6d: {  	_ =	shalt  }
0x6e: {  	_ =	shalt  }
0x6f: {  	_ =	shalt  }
0x70: {  	_ =	shalt  }
0x71: {  	_ =	shalt  }
0x72: {  	_ =	shalt  }
0x73: {  	_ =	shalt  }
0x74: {  	_ =	shalt  }
0x75: {  	_ =	shalt  }
0x76: {  	_ =	shalt  }
0x77: {  	_ =	shalt  }
0x78: {  	_ =	shalt  }
0x79: {  	_ =	shalt  }
0x7a: {  	_ =	shalt  }
0x7b: {  	_ =	shalt  }
0x7c: {  	_ =	shalt  }
0x7d: {  	_ =	shalt  }
0x7e: {  	_ =	shalt  }
0x7f: {  	_ =	shalt  }
0x80: {  	_ =	shalt  }
0x81: {  	_ =	shalt  }
0x82: {  	_ =	shalt  }
0x83: {  	_ =	shalt  }
0x84: {  	_ =	shalt  }
0x85: {  	_ =	shalt  }
0x86: {  	_ =	shalt  }
0x87: {  	_ =	shalt  }
.Lfunc_end0:
.L_simem_size_0:
called_computation.1_lowered:
.L_overlay_start_0:
0x88: {  	s2 =	sld [smem:$0x3FD9]  }
0x89: {  	s3 =	sld [smem:$0x3FFE];
	_ =	sdelay $0x1  }
0x8a: {  	s1 =	srdreg.scid  }
0x8b: {  	s0 =	sand.u32 $0x1, s1  }
0x8c: {  	s14 =	sshll.u32 s0, $0xA;
	s2 =	sadd.s32 s3, s2  }
0x8d: {  	s2 =	sadd.s32 s2, s14  }
0x8e: {  	[smem:$0x3FB7] =	sst s2  }
0x8f: {  	_ = 	snop  }
0x90: {  	s2 =	sld [smem:$0x3FD0];
	_ =	sdelay $0x2  }
0x91: {  	s15 =	simm.s32 $0xA;
	s4 =	simm.s32 $0x10  }
0x92: {  	[smem:s4], [sflag:s15] =	dma.local [hbm:s2], $0x1  }
0x93: {  	_ =	swait.eq [sflag:s15], $0x1  }
0x94: {  	[sflag:s15] =	ssyncset.done $0x0  }
0x95: {  	s16 =	sld [smem:$0x10];
	[sflag:s15] =	ssyncadd.s32 $0xFFFFFFFF  }
0x96: {  	s17 =	sld [smem:$0x11];
	(tm) =	ssettm $0x1  }
0x97: {  	s18 =	sld [smem:$0x3FFB];
	_ =	sdelay $0x3  }
0x98: {  	_ =	strace s18  }
0x99: {  	s4 =	sld [smem:$0x3FFC];
	_ =	sdelay $0x3  }
0x9a: {  	_ =	strace s4  }
0x9b: {  	s4 =	sld [smem:$0x3FFD];
	_ =	sdelay $0x3  }
0x9c: {  	_ =	strace s4  }
0x9d: {  	_ =	strace $0x8FFFFFFF  }
0x9e: {  	s19 =	sld [smem:$0x3FDB];
	_ =	sdelay $0x1  }
0x9f: {  	s5 =	simm.s32 $_scs_section_size  }
0xa0: {  	s6 =	simm.s32 $_size__tile_overlayer_lowered;
	s7 =	simm.s32 $_tile_overlayer_lowered  }
0xa1: {  	s22 =	simm.s32 $0x1BFF;
	s21 =	sshll.u32 s7, $0x1;
	s4 =	sadd.s32 s5, s19  }
0xa2: {  	s8 =	simm.s32 $0x0;
	s20 =	sshll.u32 s6, $0x1;
	s6 =	sadd.s32 s21, s4  }
0xa3: {  	[timem:s8], [sflag:s22] =	dma.local [hbm:s6], s20  }
0xa4: {  	_ =	swait.ge [sflag:s22], s20  }
0xa5: {  	s5 =	ssub.s32 $0x0, s20;
	[sflag:s22] =	ssyncset.done $0x0  }
0xa6: {  	[sflag:s22] =	ssyncadd.s32 s5;
	_ =	sdelay $0x1  }
0xa7: {  	s23 =	simm.s32 $0x1B8B  }
0xa8: {  	_ =	swait.ge [sflag:s23], $0x1  }
0xa9: {  	[sflag:s23] =	ssyncset.done $0x0  }
0xaa: {  	s25 =	simm.s32 $0x1B8E;
	s24 =	sld [smem:$0x3FFE];
	[sflag:s23] =	ssyncadd.s32 $0xFFFFFFFF  }
0xab: {  	s26 =	simm.s32 $execute0_lowered;
	[smem:$0x3FD2] =	sst s25  }
0xac: {  	s6 =	sshll.u32 s26, $0x1;
	_ =	strace $0x80000049;
	[dreg:$0x1] =	wrdreg $0xFFFFFFFF  }
0xad: {  	s28 =	simm.s32 $_size_execute0_lowered;
	s4 =	sadd.s32 s4, s6;
	[dreg:$0x0] =	wrdreg $0x0  }
0xae: {  	s6 =	sshll.u32 s28, $0x1;
	[dreg:$0x2] =	wrdreg s4  }
0xaf: {  	[dreg:$0x3] =	wrdreg s6  }
0xb0: {  	[dreg:$0x4] =	wrdreg $0xC0  }
0xb1: {  	_ =	task [dreg:s8], $0x5FFFF  }
0xb2: {  	[dreg:$0x1] =	wrdreg $0xFFFFFFFF  }
0xb3: {  	[dreg:$0x0] =	wrdreg $0x60  }
0xb4: {  	[dreg:$0x2] =	wrdreg s24  }
0xb5: {  	[dreg:$0x3] =	wrdreg s17  }
0xb6: {  	[dreg:$0x4] =	wrdreg s16  }
0xb7: {  	[dreg:$0x5] =	wrdreg $0x0  }
0xb8: {  	[dreg:$0x6] =	wrdreg $0x9  }
0xb9: {  	_ =	task.clear_ibuf [dreg:s8], $0x7FFFF;
	_ =	strace $0x90000049  }
0xba: {  	s29 =	simm.s32 $0x9;
	_ =	strace $0x8000004B  }
0xbb: {  	_ =	swait.ge [sflag:s29], $0x1  }
0xbc: {  	[sflag:s29] =	ssyncadd.s32 $0xFFFFFFFF  }
0xbd: {  	_ =	strace $0x9000004B  }
0xbe: {  	_ =	sfence  }
0xbf: {  	s30 =	sld [smem:$0x0];
	_ =	sdelay $0x2  }
0xc0: {  	s31 =	sshll.u32 s1, $0xD;
	s1 =	sshrl.u32 s1, $0x2  }
0xc1: {  	s3 =	sand.u32 $0x4000, s31;
	s1 =	sadd.s32 s1, s30  }
0xc2: {  	s0 =	sor.u32 s3, s0;
	s1 =	sshll.u32 s1, $0x11  }
0xc3: {  	s0 =	sor.u32 s1, s0  }
0xc4: {  	s0 =	sadd.s32 $0x8F2B, s0  }
0xc5: {  	[sflag:s0] =	ssyncadd.remote.s32 $0x1  }
0xc6: {  	_ =	sfence.sel $0xFFFF  }
0xc7: {  	[dreg:$0x0] =	wrdreg $0xFFFFFFFF;
	(pc) =	sbr.abs _section_cstart, $3  }
0xc8: {  	[dreg:$0x1] =	wrdreg $0xFFFFFFFF  }
0xc9: {  	_ =	task.clear_ibuf [dreg:s8], $0x2FFFF;
	_ =	strace $0x9FFFFFFF  }
0xca: {  	(tm) =	ssettm $0x7FFFFFFF  }
0xcb: {  	_ =	shalt  }
tec
execute0_lowered:
.L_overlay_start_1:
0x0: {  	(tag) =	ssettag $0x1  }
0x1: {  	s0 =	rddreg [dreg:$0x0]  }
0x2: {  	s1 =	rddreg [dreg:$0x1]  }
0x3: {  	s2 =	srdreg.scid;
	s3 =	rddreg [dreg:$0x2]  }
0x4: {  	s13 =	stileid.u32;
	s4 =	rddreg [dreg:$0x3];
	s6 =	simm.s32 $0x0  }
0x5: {  	s28 =	simm.s32 $0x80;
	s29 =	simm.s32 $0x7800;
	s30 =	simm.s32 $0x1  }
0x6: {  	s31 =	simm.s32 $0x0;
	s2 =	sand.u32 $0x1, s2;
	[smem:$0x7FF] =	sst s6  }
0x7: {  	s6 =	sadd.s32 $0x3E800, s0;
	s7 =	sadd.s32 $0x43800, s0;
	s10 =	sadd.s32 $0x43E00, s0  }
0x8: {  	s11 =	sadd.s32 $0x4DC00, s0;
	s12 =	smul.u32 $0x2800, s13;
	s22 =	sshll.u32 s13, $0x6  }
0x9: {  	s26 =	sadd.s32 $0x25800, s4;
	p0 =	seq.s32 s13, $0xF;
	s5 =	sshll.u32 s2, $0x4  }
0xa: {  	_ =	strace $0x8000004A;
	s8 =	ssub.s32 $0x2, s2;
	s2 =	smul.u32 $0x27100, s2  }
0xb: {  	[dreg:$0x9] =	wrdreg s26;
	s5 =	sor.u32 s13, s5;
	s9 =	sshrl.u32 s8, $0x1  }
0xc: {  	s26 =	simm.s32 $0x5000;
	s5 =	smul.u32 $0x500, s5;
	s23 =	ssub.s32 s8, s9  }
0xd: {  	s8 =	sadd.s32 s12, s4;
	s12 =	sadd.s32 s12, s2;
	s2 =	sshrl.u32 s2, $0x3  }
0xe: {  	s9 =	sor.u32 $0x1C02, s22;
	s21 =	sshrl.u32 s12, $0x3;
	s2 =	sadd.s32 $0x4B00, s2  }
0xf: {  	s23 =	smax.u32 s23, $0x1;
	s5 =	sadd.s32 s5, s0;
	s0 =	sadd.s32 $0x57A00, s0  }
0x10: {  	s25 =	sadd.s32 s10, s21;
	s10 =	sadd.s32 s10, s2;
	s17 =	sadd.s32 s11, s21  }
0x11: {  	s18 =	sadd.s32 s11, s2;
	s14 =	sadd.s32 $0x34800, s5;
	[dreg:$0x7] =	wrdreg s25  }
0x12: {  	s24 =	sadd.s32 $0x2A800, s5;
	[dreg:$0x8] =	wrdreg s10;
	s15 =	sadd.s32 $0x20800, s5  }
0x13: {  	s16 =	sadd.s32 $0x16800, s5;
	s19 =	sadd.s32 $0xC800, s5;
	s20 =	sadd.s32 $0x2800, s5  }
0x14: {  	s21 =	sadd.s32 s0, s21;
	s22 =	sadd.s32 s0, s2;
	[dreg:$0x5] =	wrdreg s14  }
0x15: {  	s25 =	simm.s32 $0x2800;
	[dreg:$0x6] =	wrdreg s24;
	s24 =	simm.s32 $0x2  }
.LBB2_1:
0x16: {  	s2 =	sshrl.u32 s8, $0x3  }
0x17: {  	[spmem:s2], [sflag:s9] =	dma.local [hbm:s7], $0x500  }
0x18: {  	_ =	swait.ge [sflag:s24], $0x500  }
0x19: {  	[sflag:s24] =	ssyncset.done $0x0  }
0x1a: {  	[sflag:s24] =	ssyncadd.s32 $0xFFFFFB00  }
0x1b: {  	[bflag:$0x0] =	sbarrier.arrive $0xFFFF  }
0x1c: {  	s0 =	simm.s32 $0x0;
	s5 =	rddreg [dreg:$0x5]  }
0x1d: {  	[tilespmem:s25], [sflag:$0x2] =	stream.linear.gather [hbm4b:s5+s0], $0x2800, $0x38;
	[tilespmem:$0x8000] =	vst v63  }
0x1e: {  	_ =	swait.ge [sflag:s24], $0x2800  }
0x1f: {  	[sflag:s24] =	ssyncset.done $0x0  }
0x20: {  	s12 =	rddreg [dreg:$0x6];
	[sflag:s24] =	ssyncadd.s32 $0xFFFFD800  }
0x21: {  	[tilespmem:s26], [sflag:$0x2] =	stream.linear.gather [hbm4b:s12+s0], $0x2800, $0x38;
	[tilespmem:$0x8000] =	vst v63  }
0x22: {  	_ =	swait.ge [sflag:s24], $0x2800  }
0x23: {  	[sflag:s24] =	ssyncset.done $0x0  }
0x24: {  	s13 =	simm.s32 $0x2800;
	[sflag:s24] =	ssyncadd.s32 $0xFFFFD800  }
0x25: {  	[tilespmem:s29], [sflag:$0x1] =	stream.indirect.gather [hbm4b:s1+s28], $0x10, s13, s28, $0xb8;
	[tilespmem:$0x8000] =	vst v63  }
0x26: {  	_ =	swait.ge [sflag:s30], $0x800  }
0x27: {  	[sflag:s30] =	ssyncset.done $0x0  }
0x28: {  	s14 =	simm.s32 $0x5000;
	[sflag:s30] =	ssyncadd.s32 $0xFFFFF800  }
0x29: {  	[spmem:s4] =	stream.indirect.scatter.add.f32 [tilespmem:s29], [sflag:$0x2], $0x10, s14, s28, $0xb8;
	[tilespmem:$0x8000] =	vst v63  }
0x2a: {  	_ =	swait.ge [sflag:s24], $0x800  }
0x2b: {  	s5 =	simm.s32 $0x400;
	s0 =	simm.s32 $0x80;
	[sflag:s24] =	ssyncset.done $0x0  }
.LBB2_2:
0x2c: {  	s10 =	sadd.s32 $0x2800, s0  }
0x2d: {  	[sflag:s24] =	ssyncadd.s32 $0xFFFFF800;
	s11 =	smov.u32 s5;
	s12 =	sadd.s32 $0x200, s5  }
0x2e: {  	[tilespmem:s29], [sflag:$0x1] =	stream.indirect.gather [hbm4b:s1+s28], $0x10, s10, s28, $0xb8;
	[tilespmem:$0x8000] =	vst v63  }
0x2f: {  	p1 =	sne.s32 s5, $0x9E00;
	_ =	swait.ge [sflag:s30], $0x800  }
.Ltmp0:
0x30: {  	[sflag:s30] =	ssyncset.done $0x0;
	(pc) =	sbr.rel @p1 .LBB2_2-.Ltmp0, $4  }
0x31: {  	s0 =	sadd.s32 $0x5000, s0;
	[sflag:s30] =	ssyncadd.s32 $0xFFFFF800  }
0x32: {  	[spmem:s4] =	stream.indirect.scatter.add.f32 [tilespmem:s29], [sflag:$0x2], $0x10, s0, s28, $0xb8;
	[tilespmem:$0x8000] =	vst v63  }
0x33: {  	_ =	swait.ge [sflag:s24], $0x800  }
0x34: {  	s5 =	smov.u32 s12;
	s0 =	sshra.s32 s11, $0x2;
	[sflag:s24] =	ssyncset.done $0x0  }
0x35: {  	s5 =	sadd.s32 $0x2800, s0;
	[sflag:s24] =	ssyncadd.s32 $0xFFFFF800  }
0x36: {  	[tilespmem:s29], [sflag:$0x1] =	stream.indirect.gather [hbm4b:s1+s28], $0x10, s5, s28, $0xb8;
	[tilespmem:$0x8000] =	vst v63  }
0x37: {  	_ =	swait.ge [sflag:s30], $0x800  }
0x38: {  	[sflag:s30] =	ssyncset.done $0x0  }
0x39: {  	s11 =	sadd.s32 $0x5000, s0;
	[sflag:s30] =	ssyncadd.s32 $0xFFFFF800  }
0x3a: {  	[spmem:s4] =	stream.indirect.scatter.add.f32 [tilespmem:s29], [sflag:$0x2], $0x10, s11, s28, $0xb8;
	[tilespmem:$0x8000] =	vst v63  }
0x3b: {  	_ =	swait.ge [sflag:s24], $0x800  }
0x3c: {  	[sflag:s24] =	ssyncset.done $0x0  }
0x3d: {  	[sflag:s24] =	ssyncadd.s32 $0xFFFFF800  }
0x3e: {  	[bflag:$0x0] =	sbarrier.arrive $0xFFFF  }
0x3f: {  	s0 =	rddreg [dreg:$0x9]  }
0x40: {  	s5 =	rddreg [dreg:$0x8];
	s0 =	sshrl.u32 @p0 s0, $0x3  }
0x41: {  	[hbm:s5], [sflag:s9] =	dma.local @p0 [spmem:s0], $0x320  }
0x42: {  	s5 =	simm.s32 @p0 $0x2  }
0x43: {  	_ =	swait.ge @p0 [sflag:s5], $0x320  }
0x44: {  	[sflag:s5] =	ssyncset.done @p0 $0x0  }
0x45: {  	s10 =	rddreg [dreg:$0x7];
	[sflag:s5] =	ssyncadd.s32 @p0 $0xFFFFFCE0;
	s5 =	sshrl.u32 @!p0 s8, $0x3  }
0x46: {  	[hbm:s10], [sflag:s9] =	dma.local @!p0 [spmem:s5], $0x500  }
0x47: {  	s10 =	simm.s32 @!p0 $0x2  }
0x48: {  	_ =	swait.ge @!p0 [sflag:s10], $0x500  }
0x49: {  	[sflag:s10] =	ssyncset.done @!p0 $0x0  }
0x4a: {  	[sflag:s10] =	ssyncadd.s32 @!p0 $0xFFFFFB00  }
0x4b: {  	[spmem:s2], [sflag:s9] =	dma.local [hbm:s7], $0x500  }
0x4c: {  	_ =	swait.ge [sflag:s24], $0x500  }
0x4d: {  	[sflag:s24] =	ssyncset.done $0x0  }
0x4e: {  	[sflag:s24] =	ssyncadd.s32 $0xFFFFFB00  }
0x4f: {  	s12 =	simm.s32 $0x0;
	[bflag:$0x0] =	sbarrier.arrive $0xFFFF  }
0x50: {  	[tilespmem:s25], [sflag:$0x2] =	stream.linear.gather [hbm4b:s15+s12], $0x2800, $0x38;
	[tilespmem:$0x8000] =	vst v63  }
0x51: {  	_ =	swait.ge [sflag:s24], $0x2800  }
0x52: {  	[sflag:s24] =	ssyncset.done $0x0  }
0x53: {  	[sflag:s24] =	ssyncadd.s32 $0xFFFFD800  }
0x54: {  	[tilespmem:s26], [sflag:$0x2] =	stream.linear.gather [hbm4b:s16+s12], $0x2800, $0x38;
	[tilespmem:$0x8000] =	vst v63  }
0x55: {  	_ =	swait.ge [sflag:s24], $0x2800  }
0x56: {  	[sflag:s24] =	ssyncset.done $0x0  }
0x57: {  	s13 =	simm.s32 $0x2800;
	[sflag:s24] =	ssyncadd.s32 $0xFFFFD800  }
0x58: {  	[tilespmem:s29], [sflag:$0x1] =	stream.indirect.gather [hbm4b:s3+s28], $0x10, s13, s28, $0xb8;
	[tilespmem:$0x8000] =	vst v63  }
0x59: {  	_ =	swait.ge [sflag:s30], $0x800  }
0x5a: {  	[sflag:s30] =	ssyncset.done $0x0  }
0x5b: {  	s14 =	simm.s32 $0x5000;
	[sflag:s30] =	ssyncadd.s32 $0xFFFFF800  }
0x5c: {  	[spmem:s4] =	stream.indirect.scatter.add.f32 [tilespmem:s29], [sflag:$0x2], $0x10, s14, s28, $0xb8;
	[tilespmem:$0x8000] =	vst v63  }
0x5d: {  	_ =	swait.ge [sflag:s24], $0x800  }
0x5e: {  	s11 =	simm.s32 $0x400;
	s10 =	simm.s32 $0x80;
	[sflag:s24] =	ssyncset.done $0x0  }
.LBB2_4:
0x5f: {  	s12 =	sadd.s32 $0x2800, s10  }
0x60: {  	[sflag:s24] =	ssyncadd.s32 $0xFFFFF800;
	s13 =	smov.u32 s11;
	s14 =	sadd.s32 $0x200, s11  }
0x61: {  	[tilespmem:s29], [sflag:$0x1] =	stream.indirect.gather [hbm4b:s3+s28], $0x10, s12, s28, $0xb8;
	[tilespmem:$0x8000] =	vst v63  }
0x62: {  	p1 =	sne.s32 s11, $0x9E00;
	_ =	swait.ge [sflag:s30], $0x800  }
.Ltmp1:
0x63: {  	[sflag:s30] =	ssyncset.done $0x0;
	(pc) =	sbr.rel @p1 .LBB2_4-.Ltmp1, $4  }
0x64: {  	s10 =	sadd.s32 $0x5000, s10;
	[sflag:s30] =	ssyncadd.s32 $0xFFFFF800  }
0x65: {  	[spmem:s4] =	stream.indirect.scatter.add.f32 [tilespmem:s29], [sflag:$0x2], $0x10, s10, s28, $0xb8;
	[tilespmem:$0x8000] =	vst v63  }
0x66: {  	_ =	swait.ge [sflag:s24], $0x800  }
0x67: {  	s11 =	smov.u32 s14;
	s10 =	sshra.s32 s13, $0x2;
	[sflag:s24] =	ssyncset.done $0x0  }
0x68: {  	s11 =	sadd.s32 $0x2800, s10;
	[sflag:s24] =	ssyncadd.s32 $0xFFFFF800  }
0x69: {  	[tilespmem:s29], [sflag:$0x1] =	stream.indirect.gather [hbm4b:s3+s28], $0x10, s11, s28, $0xb8;
	[tilespmem:$0x8000] =	vst v63  }
0x6a: {  	_ =	swait.ge [sflag:s30], $0x800  }
0x6b: {  	[sflag:s30] =	ssyncset.done $0x0  }
0x6c: {  	s11 =	sadd.s32 $0x5000, s10;
	[sflag:s30] =	ssyncadd.s32 $0xFFFFF800  }
0x6d: {  	[spmem:s4] =	stream.indirect.scatter.add.f32 [tilespmem:s29], [sflag:$0x2], $0x10, s11, s28, $0xb8;
	[tilespmem:$0x8000] =	vst v63  }
0x6e: {  	_ =	swait.ge [sflag:s24], $0x800  }
0x6f: {  	[sflag:s24] =	ssyncset.done $0x0  }
0x70: {  	[sflag:s24] =	ssyncadd.s32 $0xFFFFF800  }
0x71: {  	s10 =	simm.s32 @p0 $0x2;
	[bflag:$0x0] =	sbarrier.arrive $0xFFFF  }
0x72: {  	[hbm:s18], [sflag:s9] =	dma.local @p0 [spmem:s0], $0x320  }
0x73: {  	_ =	swait.ge @p0 [sflag:s10], $0x320  }
0x74: {  	[sflag:s10] =	ssyncset.done @p0 $0x0  }
0x75: {  	[sflag:s10] =	ssyncadd.s32 @p0 $0xFFFFFCE0;
	s10 =	simm.s32 @!p0 $0x2  }
0x76: {  	[hbm:s17], [sflag:s9] =	dma.local @!p0 [spmem:s5], $0x500  }
0x77: {  	_ =	swait.ge @!p0 [sflag:s10], $0x500  }
0x78: {  	[sflag:s10] =	ssyncset.done @!p0 $0x0  }
0x79: {  	[sflag:s10] =	ssyncadd.s32 @!p0 $0xFFFFFB00  }
0x7a: {  	[spmem:s2], [sflag:s9] =	dma.local [hbm:s7], $0x500  }
0x7b: {  	_ =	swait.ge [sflag:s24], $0x500  }
0x7c: {  	[sflag:s24] =	ssyncset.done $0x0  }
0x7d: {  	[sflag:s24] =	ssyncadd.s32 $0xFFFFFB00  }
0x7e: {  	s12 =	simm.s32 $0x0;
	[bflag:$0x0] =	sbarrier.arrive $0xFFFF  }
0x7f: {  	[tilespmem:s25], [sflag:$0x2] =	stream.linear.gather [hbm4b:s19+s12], $0x2800, $0x38;
	[tilespmem:$0x8000] =	vst v63  }
0x80: {  	_ =	swait.ge [sflag:s24], $0x2800  }
0x81: {  	[sflag:s24] =	ssyncset.done $0x0  }
0x82: {  	[sflag:s24] =	ssyncadd.s32 $0xFFFFD800  }
0x83: {  	[tilespmem:s26], [sflag:$0x2] =	stream.linear.gather [hbm4b:s20+s12], $0x2800, $0x38;
	[tilespmem:$0x8000] =	vst v63  }
0x84: {  	_ =	swait.ge [sflag:s24], $0x2800  }
0x85: {  	[sflag:s24] =	ssyncset.done $0x0  }
0x86: {  	s13 =	simm.s32 $0x2800;
	[sflag:s24] =	ssyncadd.s32 $0xFFFFD800  }
0x87: {  	[tilespmem:s29], [sflag:$0x1] =	stream.indirect.gather [hbm4b:s6+s28], $0x10, s13, s28, $0xb8;
	[tilespmem:$0x8000] =	vst v63  }
0x88: {  	_ =	swait.ge [sflag:s30], $0x800  }
0x89: {  	[sflag:s30] =	ssyncset.done $0x0  }
0x8a: {  	s14 =	simm.s32 $0x5000;
	[sflag:s30] =	ssyncadd.s32 $0xFFFFF800  }
0x8b: {  	[spmem:s4] =	stream.indirect.scatter.add.f32 [tilespmem:s29], [sflag:$0x2], $0x10, s14, s28, $0xb8;
	[tilespmem:$0x8000] =	vst v63  }
0x8c: {  	_ =	swait.ge [sflag:s24], $0x800  }
0x8d: {  	s10 =	simm.s32 $0x400;
	s2 =	simm.s32 $0x80;
	[sflag:s24] =	ssyncset.done $0x0  }
.LBB2_6:
0x8e: {  	s11 =	sadd.s32 $0x2800, s2  }
0x8f: {  	[sflag:s24] =	ssyncadd.s32 $0xFFFFF800;
	s12 =	smov.u32 s10;
	s13 =	sadd.s32 $0x200, s10  }
0x90: {  	[tilespmem:s29], [sflag:$0x1] =	stream.indirect.gather [hbm4b:s6+s28], $0x10, s11, s28, $0xb8;
	[tilespmem:$0x8000] =	vst v63  }
0x91: {  	p1 =	sne.s32 s10, $0x9E00;
	_ =	swait.ge [sflag:s30], $0x800  }
.Ltmp2:
0x92: {  	[sflag:s30] =	ssyncset.done $0x0;
	(pc) =	sbr.rel @p1 .LBB2_6-.Ltmp2, $4  }
0x93: {  	s2 =	sadd.s32 $0x5000, s2;
	[sflag:s30] =	ssyncadd.s32 $0xFFFFF800  }
0x94: {  	[spmem:s4] =	stream.indirect.scatter.add.f32 [tilespmem:s29], [sflag:$0x2], $0x10, s2, s28, $0xb8;
	[tilespmem:$0x8000] =	vst v63  }
0x95: {  	_ =	swait.ge [sflag:s24], $0x800  }
0x96: {  	s10 =	smov.u32 s13;
	s2 =	sshra.s32 s12, $0x2;
	[sflag:s24] =	ssyncset.done $0x0  }
0x97: {  	s10 =	sadd.s32 $0x2800, s2;
	[sflag:s24] =	ssyncadd.s32 $0xFFFFF800  }
0x98: {  	[tilespmem:s29], [sflag:$0x1] =	stream.indirect.gather [hbm4b:s6+s28], $0x10, s10, s28, $0xb8;
	[tilespmem:$0x8000] =	vst v63  }
0x99: {  	_ =	swait.ge [sflag:s30], $0x800  }
0x9a: {  	[sflag:s30] =	ssyncset.done $0x0  }
0x9b: {  	s14 =	sadd.s32 $0x5000, s2;
	[sflag:s30] =	ssyncadd.s32 $0xFFFFF800  }
0x9c: {  	[spmem:s4] =	stream.indirect.scatter.add.f32 [tilespmem:s29], [sflag:$0x2], $0x10, s14, s28, $0xb8;
	[tilespmem:$0x8000] =	vst v63  }
0x9d: {  	_ =	swait.ge [sflag:s24], $0x800  }
0x9e: {  	[sflag:s24] =	ssyncset.done $0x0  }
0x9f: {  	[sflag:s24] =	ssyncadd.s32 $0xFFFFF800  }
0xa0: {  	[bflag:$0x0] =	sbarrier.arrive $0xFFFF  }
0xa1: {  	[hbm:s22], [sflag:s9] =	dma.local @p0 [spmem:s0], $0x320  }
0xa2: {  	s0 =	simm.s32 @p0 $0x2  }
0xa3: {  	s31 =	sadd.s32 $0x1, s31;
	_ =	swait.ge @p0 [sflag:s0], $0x320  }
0xa4: {  	p1 =	sne.s32 s31, s23;
	[sflag:s0] =	ssyncset.done @p0 $0x0  }
.Ltmp3:
0xa5: {  	[sflag:s0] =	ssyncadd.s32 @p0 $0xFFFFFCE0;
	s0 =	simm.s32 @!p0 $0x2;
	(pc) =	sbr.rel @p1 .LBB2_1-.Ltmp3, $4  }
0xa6: {  	[hbm:s21], [sflag:s9] =	dma.local @!p0 [spmem:s5], $0x500  }
0xa7: {  	_ =	swait.ge @!p0 [sflag:s0], $0x500  }
0xa8: {  	[sflag:s0] =	ssyncset.done @!p0 $0x0  }
0xa9: {  	[sflag:s0] =	ssyncadd.s32 @!p0 $0xFFFFFB00  }
0xaa: {  	_ =	sfence.sel $0x180000  }
0xab: {  	[bflag:$0x0] =	sbarrier.arrive $0xFFFF  }
0xac: {  	_ =	strace $0x9000004A  }
0xad: {  	s0 =	stileid.u32;
	[bflag:$0x2] =	sbarrier.arrive $0xFFFF  }
0xae: {  	p0 =	sne.s32 s0, $0x0;
	s0 =	rddreg [dreg:$0x4]  }
0xaf: {  	s0 =	sadd.s32 @!p0 $0x100000, s0  }
0xb0: {  	[sflag:s0] =	ssyncadd.tile.s32 @!p0 $0x1;
	_ =	shalt  }
.Lfunc_end2:
_tile_overlayer_lowered:
.L_overlay_start_2:
0xb1: {  	(tag) =	ssettag $0x2  }
0xb2: {  	s0 =	rddreg [dreg:$0x0];
	s2 =	stileid.u32  }
0xb3: {  	s1 =	rddreg [dreg:$0x1];
	p0 =	sne.s32 s2, $0x0  }
0xb4: {  	s3 =	rddreg [dreg:$0x2];
	[bflag:$0x3] =	sbarrier.arrive $0xFFFF;
	s2 =	simm.s32 @!p0 $0x1C02  }
0xb5: {  	[timem:s3], [sflag:s2] =	dma.local @!p0 [hbm:s0], s1  }
0xb6: {  	s0 =	simm.s32 @!p0 $0x2  }
0xb7: {  	_ =	swait.ge @!p0 [sflag:s0], s1  }
0xb8: {  	s1 =	ssub.s32 @!p0 $0x0, s1;
	[sflag:s0] =	ssyncset.done @!p0 $0x0  }
0xb9: {  	[sflag:s0] =	ssyncadd.s32 @!p0 s1  }
0xba: {  	[bflag:$0x3] =	sbarrier.arrive $0xFFFF  }
0xbb: {  	_ =	shalt  }

// kernel: kernel.7.cloned.1.call-start
scs
__scs_entry_jumppad:
0x0: {  	(pc) =	sbr.rel $0x88, $3  }
0x1: {  	(tag) =	ssettag $0x0;
	lr =	simm.s32 $0x1  }
0x2: {  	[smem:$0x3F90] =	sst lr;
	_ =	strace $0xD0000000  }
0x3: {  	_ = 	snop  }
0x4: {  	_ = 	snop  }
0x5: {  	_ = 	snop  }
0x6: {  	_ = 	snop  }
0x7: {  	_ = 	snop  }
__scs_overlays_trampoline_lowered:
0x8: {  	[smem:$0x3F9F] =	sst s0  }
0x9: {  	[smem:$0x3FA0] =	sst s1  }
0xa: {  	[smem:$0x3FA1] =	sst s2  }
0xb: {  	[smem:$0x3FA2] =	sst s3  }
0xc: {  	[smem:$0x3FA3] =	sst s4  }
0xd: {  	[smem:$0x3FA4] =	sst s5  }
0xe: {  	[smem:$0x3FA5] =	sst s6  }
0xf: {  	[smem:$0x3FA6] =	sst s7  }
0x10: {  	[smem:$0x3FA7] =	sst s8  }
0x11: {  	[smem:$0x3FA8] =	sst s9;
	s0 =	simm.s32 @!p0 $0x0  }
0x12: {  	s1 =	sld [smem:$0x3F8E];
	s0 =	simm.s32 @p0 $0x1  }
0x13: {  	[smem:$0x3FA9] =	sst s0;
	s0 =	simm.s32 @!p1 $0x0  }
0x14: {  	s2 =	sld [smem:$0x3F8D];
	s0 =	simm.s32 @p1 $0x1  }
0x15: {  	[smem:$0x3FAA] =	sst s0;
	s0 =	simm.s32 @!p2 $0x0  }
0x16: {  	s3 =	sld [smem:$0x3FDB];
	s0 =	simm.s32 @p2 $0x1  }
0x17: {  	s4 =	simm.s32 $0x1BF5;
	[smem:$0x3FAC] =	sst s0  }
0x18: {  	s0 =	sld [smem:$0x3F8F];
	_ =	swait.ge [sflag:s4], $0x0  }
0x19: {  	s7 =	sld [smem:$0x3F90]  }
0x1a: {  	s8 =	sadd.s32 $0xFFFFE003, lr  }
0x1b: {  	s9 =	sadd.s32 $0xFFFFFEF7, lr;
	s5 =	simm.s32 $0xFFFFFFFF;
	p2 =	slt.u32 s8, $0xFFFFF086  }
0x1c: {  	p1 =	slt.u32 s9, $0xF7A;
	s5 =	simm.s32 @!p2 $0x0  }
0x1d: {  	s5 =	simm.s32 @p1 $0x1;
	p0 =	seq.s32 s7, s2  }
0x1e: {  	s7 =	smul.u32 @!p0 $0xF7A, s2;
	p2 =	seq.s32 @!p0 s5, $0x0  }
0x1f: {  	s9 =	smul.u32 $0xF7A, s1;
	s8 =	simm.s32 @!p0 $0x1BF5;
	p2 =	por !p2, p0  }
0x20: {  	[sflag:s8] =	ssyncset.s32 @!p0 $0xFFFFF086;
	s6 =	sadd.s32 @!p0 s3, s7;
	s7 =	simm.s32 @!p0 $0x108  }
0x21: {  	s3 =	sadd.s32 s3, s9;
	s6 =	sadd.s32 @!p0 $0x88, s6;
	s7 =	simm.s32 @p2 $0x1082  }
0x22: {  	[simem:s7], [sflag:s8] =	dma.local @!p0 [hbm:s6], $0xF7A  }
0x23: {  	s9 =	sor.u32 $0xD0000000, s2;
	s6 =	simm.s32 $0x108;
	_ =	swait.ge @!p0 [sflag:s8], $0x0  }
0x24: {  	s3 =	sadd.s32 $0x88, s3;
	s6 =	simm.s32 @!p1 $0x1082;
	[sflag:s4] =	ssyncset.s32 $0xFFFFF086  }
0x25: {  	[simem:s6], [sflag:s4] =	dma.local [hbm:s3], $0xF7A  }
0x26: {  	[smem:$0x3F90] =	sst s1;
	(tag) =	ssettag s2;
	_ =	strace s9  }
0x27: {  	s1 =	sld [smem:$0x3FA0]  }
0x28: {  	s2 =	sld [smem:$0x3FA1]  }
0x29: {  	s4 =	sld [smem:$0x3FA3]  }
0x2a: {  	p0 =	seq.s32 s5, $0x0;
	s5 =	sld [smem:$0x3FA4]  }
0x2b: {  	s6 =	sld [smem:$0x3FA5]  }
0x2c: {  	s7 =	sld [smem:$0x3FA6]  }
0x2d: {  	s3 =	simm.s32 $0x108;
	s8 =	sld [smem:$0x3FA7]  }
0x2e: {  	s3 =	simm.s32 @!p0 $0x1082;
	s9 =	sld [smem:$0x3FA8]  }
0x2f: {  	lr =	sadd.s32 s0, s3;
	s0 =	sld [smem:$0x3F9F]  }
0x30: {  	s3 =	sld [smem:$0x3FA2]  }
0x31: {  	[smem:$0x3FAB] =	sst s10  }
0x32: {  	s10 =	sld [smem:$0x3FA9];
	_ =	sdelay $0x3  }
0x33: {  	p0 =	seq.s32 s10, $0x1;
	s10 =	sld [smem:$0x3FAB];
	_ =	sdelay $0x3  }
0x34: {  	[smem:$0x3FAB] =	sst s10  }
0x35: {  	s10 =	sld [smem:$0x3FAA];
	_ =	sdelay $0x3  }
0x36: {  	p1 =	seq.s32 s10, $0x1;
	s10 =	sld [smem:$0x3FAB];
	_ =	sdelay $0x3  }
0x37: {  	[smem:$0x3FAB] =	sst s10  }
0x38: {  	s10 =	sld [smem:$0x3FAC]  }
0x39: {  	_ = 	snop;
	(pc) =	sbr.ind lr, $3  }
0x3a: {  	_ = 	snop  }
0x3b: {  	_ = 	snop  }
0x3c: {  	p2 =	seq.s32 s10, $0x1;
	s10 =	sld [smem:$0x3FAB]  }
0x3d: {  	_ =	shalt  }
0x3e: {  	_ =	shalt  }
0x3f: {  	_ =	shalt  }
0x40: {  	_ =	shalt  }
0x41: {  	_ =	shalt  }
0x42: {  	_ =	shalt  }
0x43: {  	_ =	shalt  }
0x44: {  	_ =	shalt  }
0x45: {  	_ =	shalt  }
0x46: {  	_ =	shalt  }
0x47: {  	_ =	shalt  }
0x48: {  	_ =	shalt  }
0x49: {  	_ =	shalt  }
0x4a: {  	_ =	shalt  }
0x4b: {  	_ =	shalt  }
0x4c: {  	_ =	shalt  }
0x4d: {  	_ =	shalt  }
0x4e: {  	_ =	shalt  }
0x4f: {  	_ =	shalt  }
0x50: {  	_ =	shalt  }
0x51: {  	_ =	shalt  }
0x52: {  	_ =	shalt  }
0x53: {  	_ =	shalt  }
0x54: {  	_ =	shalt  }
0x55: {  	_ =	shalt  }
0x56: {  	_ =	shalt  }
0x57: {  	_ =	shalt  }
0x58: {  	_ =	shalt  }
0x59: {  	_ =	shalt  }
0x5a: {  	_ =	shalt  }
0x5b: {  	_ =	shalt  }
0x5c: {  	_ =	shalt  }
0x5d: {  	_ =	shalt  }
0x5e: {  	_ =	shalt  }
0x5f: {  	_ =	shalt  }
0x60: {  	_ =	shalt  }
0x61: {  	_ =	shalt  }
0x62: {  	_ =	shalt  }
0x63: {  	_ =	shalt  }
0x64: {  	_ =	shalt  }
0x65: {  	_ =	shalt  }
0x66: {  	_ =	shalt  }
0x67: {  	_ =	shalt  }
0x68: {  	_ =	shalt  }
0x69: {  	_ =	shalt  }
0x6a: {  	_ =	shalt  }
0x6b: {  	_ =	shalt  }
0x6c: {  	_ =	shalt  }
0x6d: {  	_ =	shalt  }
0x6e: {  	_ =	shalt  }
0x6f: {  	_ =	shalt  }
0x70: {  	_ =	shalt  }
0x71: {  	_ =	shalt  }
0x72: {  	_ =	shalt  }
0x73: {  	_ =	shalt  }
0x74: {  	_ =	shalt  }
0x75: {  	_ =	shalt  }
0x76: {  	_ =	shalt  }
0x77: {  	_ =	shalt  }
0x78: {  	_ =	shalt  }
0x79: {  	_ =	shalt  }
0x7a: {  	_ =	shalt  }
0x7b: {  	_ =	shalt  }
0x7c: {  	_ =	shalt  }
0x7d: {  	_ =	shalt  }
0x7e: {  	_ =	shalt  }
0x7f: {  	_ =	shalt  }
0x80: {  	_ =	shalt  }
0x81: {  	_ =	shalt  }
0x82: {  	_ =	shalt  }
0x83: {  	_ =	shalt  }
0x84: {  	_ =	shalt  }
0x85: {  	_ =	shalt  }
0x86: {  	_ =	shalt  }
0x87: {  	_ =	shalt  }
.Lfunc_end0:
.L_simem_size_0:
called_computation_lowered:
.L_overlay_start_0:
0x88: {  	s2 =	sld [smem:$0x3FD9]  }
0x89: {  	s3 =	sld [smem:$0x3FFE];
	_ =	sdelay $0x1  }
0x8a: {  	s1 =	srdreg.scid  }
0x8b: {  	s0 =	sand.u32 $0x1, s1  }
0x8c: {  	s14 =	sshll.u32 s0, $0xA;
	s2 =	sadd.s32 s3, s2  }
0x8d: {  	s2 =	sadd.s32 s2, s14  }
0x8e: {  	[smem:$0x3FB7] =	sst s2  }
0x8f: {  	_ = 	snop  }
0x90: {  	s2 =	sld [smem:$0x3FD0];
	_ =	sdelay $0x2  }
0x91: {  	s15 =	simm.s32 $0xA;
	s4 =	simm.s32 $0x10  }
0x92: {  	[smem:s4], [sflag:s15] =	dma.local [hbm:s2], $0x1  }
0x93: {  	_ =	swait.eq [sflag:s15], $0x1  }
0x94: {  	[sflag:s15] =	ssyncset.done $0x0  }
0x95: {  	[sflag:s15] =	ssyncadd.s32 $0xFFFFFFFF  }
0x96: {  	s16 =	sld [smem:$0x11];
	(tm) =	ssettm $0x1  }
0x97: {  	s17 =	sld [smem:$0x3FFB];
	_ =	sdelay $0x3  }
0x98: {  	_ =	strace s17  }
0x99: {  	s3 =	sld [smem:$0x3FFC];
	_ =	sdelay $0x3  }
0x9a: {  	_ =	strace s3  }
0x9b: {  	s3 =	sld [smem:$0x3FFD];
	_ =	sdelay $0x3  }
0x9c: {  	_ =	strace s3  }
0x9d: {  	_ =	strace $0x8FFFFFFF  }
0x9e: {  	s18 =	sld [smem:$0x3FDB];
	_ =	sdelay $0x1  }
0x9f: {  	s19 =	simm.s32 $_scs_section_size  }
0xa0: {  	s5 =	simm.s32 $_size__tile_overlayer_lowered;
	s6 =	simm.s32 $_tile_overlayer_lowered  }
0xa1: {  	s22 =	simm.s32 $0x1BFF;
	s21 =	sshll.u32 s6, $0x1;
	s3 =	sadd.s32 s19, s18  }
0xa2: {  	s7 =	simm.s32 $0x0;
	s20 =	sshll.u32 s5, $0x1;
	s5 =	sadd.s32 s21, s3  }
0xa3: {  	[timem:s7], [sflag:s22] =	dma.local [hbm:s5], s20  }
0xa4: {  	_ =	swait.ge [sflag:s22], s20  }
0xa5: {  	s4 =	ssub.s32 $0x0, s20;
	[sflag:s22] =	ssyncset.done $0x0  }
0xa6: {  	[sflag:s22] =	ssyncadd.s32 s4;
	_ =	sdelay $0x1  }
0xa7: {  	s23 =	simm.s32 $0x1B8B  }
0xa8: {  	_ =	swait.ge [sflag:s23], $0x1  }
0xa9: {  	[sflag:s23] =	ssyncset.done $0x0  }
0xaa: {  	s25 =	simm.s32 $0x1B8E;
	s24 =	sld [smem:$0x3FFE];
	[sflag:s23] =	ssyncadd.s32 $0xFFFFFFFF  }
0xab: {  	s26 =	simm.s32 $execute0_lowered;
	[smem:$0x3FD2] =	sst s25  }
0xac: {  	s5 =	sshll.u32 s26, $0x1;
	_ =	strace $0x80000046;
	[dreg:$0x1] =	wrdreg $0xFFFFFFFF  }
0xad: {  	s28 =	simm.s32 $_size_execute0_lowered;
	s3 =	sadd.s32 s3, s5;
	[dreg:$0x0] =	wrdreg $0x0  }
0xae: {  	s5 =	sshll.u32 s28, $0x1;
	[dreg:$0x2] =	wrdreg s3  }
0xaf: {  	[dreg:$0x3] =	wrdreg s5  }
0xb0: {  	[dreg:$0x4] =	wrdreg $0xC0  }
0xb1: {  	_ =	task [dreg:s7], $0x5FFFF  }
0xb2: {  	[dreg:$0x1] =	wrdreg $0xFFFFFFFF  }
0xb3: {  	[dreg:$0x0] =	wrdreg $0x60  }
0xb4: {  	[dreg:$0x2] =	wrdreg s24  }
0xb5: {  	[dreg:$0x3] =	wrdreg s16  }
0xb6: {  	[dreg:$0x4] =	wrdreg $0x0  }
0xb7: {  	[dreg:$0x5] =	wrdreg $0x9  }
0xb8: {  	_ =	task.clear_ibuf [dreg:s7], $0x6FFFF;
	_ =	strace $0x90000046  }
0xb9: {  	s29 =	simm.s32 $0x9;
	_ =	strace $0x80000048  }
0xba: {  	_ =	swait.ge [sflag:s29], $0x1  }
0xbb: {  	[sflag:s29] =	ssyncadd.s32 $0xFFFFFFFF  }
0xbc: {  	_ =	strace $0x90000048  }
0xbd: {  	_ =	sfence  }
0xbe: {  	s30 =	sld [smem:$0x0];
	_ =	sdelay $0x2  }
0xbf: {  	s31 =	sshll.u32 s1, $0xD;
	s1 =	sshrl.u32 s1, $0x2  }
0xc0: {  	s3 =	sand.u32 $0x4000, s31;
	s1 =	sadd.s32 s1, s30  }
0xc1: {  	s0 =	sor.u32 s3, s0;
	s1 =	sshll.u32 s1, $0x11  }
0xc2: {  	s0 =	sor.u32 s1, s0  }
0xc3: {  	s0 =	sadd.s32 $0x8F2B, s0  }
0xc4: {  	[sflag:s0] =	ssyncadd.remote.s32 $0x1  }
0xc5: {  	_ =	sfence.sel $0xFFFF  }
0xc6: {  	[dreg:$0x0] =	wrdreg $0xFFFFFFFF;
	(pc) =	sbr.abs _section_cstart, $3  }
0xc7: {  	[dreg:$0x1] =	wrdreg $0xFFFFFFFF  }
0xc8: {  	_ =	task.clear_ibuf [dreg:s7], $0x2FFFF;
	_ =	strace $0x9FFFFFFF  }
0xc9: {  	(tm) =	ssettm $0x7FFFFFFF  }
tec
execute0_lowered:
.L_overlay_start_1:
0x0: {  	(tag) =	ssettag $0x1  }
0x1: {  	s0 =	rddreg [dreg:$0x0]  }
0x2: {  	s2 =	rddreg [dreg:$0x1]  }
0x3: {  	s1 =	srdreg.scid;
	s3 =	rddreg [dreg:$0x2]  }
0x4: {  	s13 =	stileid.u32;
	s5 =	simm.s32 $0x0;
	s28 =	simm.s32 $0x80  }
0x5: {  	s29 =	simm.s32 $0x19000;
	s30 =	simm.s32 $0x1;
	s31 =	simm.s32 $0x0  }
0x6: {  	s1 =	sand.u32 $0x1, s1;
	[smem:$0x7FF] =	sst s5;
	s5 =	sadd.s32 $0x3E800, s0  }
0x7: {  	s6 =	sadd.s32 $0x65A00, s0;
	s7 =	sadd.s32 $0x8CC00, s0;
	s10 =	sadd.s32 $0xB3E00, s0  }
0x8: {  	s11 =	sadd.s32 $0x102000, s0;
	s12 =	smul.u32 $0x14000, s13;
	s22 =	sshll.u32 s13, $0x6  }
0x9: {  	s26 =	sadd.s32 $0x12C000, s3;
	p0 =	seq.s32 s13, $0xF;
	s4 =	sshll.u32 s1, $0x4  }
0xa: {  	_ =	strace $0x80000047;
	s8 =	ssub.s32 $0x2, s1;
	s1 =	smul.u32 $0x138800, s1  }
0xb: {  	[dreg:$0x8] =	wrdreg s26;
	s4 =	sor.u32 s13, s4;
	s9 =	sshrl.u32 s8, $0x1  }
0xc: {  	s26 =	simm.s32 $0x16800;
	s4 =	smul.u32 $0x500, s4;
	s23 =	ssub.s32 s8, s9  }
0xd: {  	s8 =	sadd.s32 s12, s3;
	s12 =	sadd.s32 s12, s1;
	s1 =	sshrl.u32 s1, $0x3  }
0xe: {  	s9 =	sor.u32 $0x1C02, s22;
	s21 =	sshrl.u32 s12, $0x3;
	s1 =	sadd.s32 $0x25800, s1  }
0xf: {  	s23 =	smax.u32 s23, $0x1;
	s4 =	sadd.s32 s4, s0;
	s0 =	sadd.s32 $0x150200, s0  }
0x10: {  	s25 =	sadd.s32 s10, s21;
	s10 =	sadd.s32 s10, s1;
	s17 =	sadd.s32 s11, s21  }
0x11: {  	s18 =	sadd.s32 s11, s1;
	s14 =	sadd.s32 $0x34800, s4;
	[dreg:$0x6] =	wrdreg s25  }
0x12: {  	s24 =	sadd.s32 $0x2A800, s4;
	[dreg:$0x7] =	wrdreg s10;
	s15 =	sadd.s32 $0x20800, s4  }
0x13: {  	s16 =	sadd.s32 $0x16800, s4;
	s19 =	sadd.s32 $0xC800, s4;
	s20 =	sadd.s32 $0x2800, s4  }
0x14: {  	s21 =	sadd.s32 s0, s21;
	s22 =	sadd.s32 s0, s1;
	[dreg:$0x4] =	wrdreg s14  }
0x15: {  	s25 =	simm.s32 $0x14000;
	[dreg:$0x5] =	wrdreg s24;
	s24 =	simm.s32 $0x2  }
.LBB2_1:
0x16: {  	s0 =	sshrl.u32 s8, $0x3  }
0x17: {  	[spmem:s0], [sflag:s9] =	dma.local [hbm:s2], $0x2800  }
0x18: {  	_ =	swait.ge [sflag:s24], $0x2800  }
0x19: {  	[sflag:s24] =	ssyncset.done $0x0  }
0x1a: {  	[sflag:s24] =	ssyncadd.s32 $0xFFFFD800  }
0x1b: {  	[bflag:$0x0] =	sbarrier.arrive $0xFFFF  }
0x1c: {  	s1 =	simm.s32 $0x0;
	s4 =	rddreg [dreg:$0x4]  }
0x1d: {  	[tilespmem:s25], [sflag:$0x2] =	stream.linear.gather [hbm4b:s4+s1], $0x2800, $0x38;
	[tilespmem:$0x1D000] =	vst v63  }
0x1e: {  	_ =	swait.ge [sflag:s24], $0x2800  }
0x1f: {  	[sflag:s24] =	ssyncset.done $0x0  }
0x20: {  	s12 =	rddreg [dreg:$0x5];
	[sflag:s24] =	ssyncadd.s32 $0xFFFFD800  }
0x21: {  	[tilespmem:s26], [sflag:$0x2] =	stream.linear.gather [hbm4b:s12+s1], $0x2800, $0x38;
	[tilespmem:$0x1D000] =	vst v63  }
0x22: {  	_ =	swait.ge [sflag:s24], $0x2800  }
0x23: {  	[sflag:s24] =	ssyncset.done $0x0  }
0x24: {  	s13 =	simm.s32 $0x14000;
	[sflag:s24] =	ssyncadd.s32 $0xFFFFD800  }
0x25: {  	[tilespmem:s29], [sflag:$0x1] =	stream.indirect.gather [hbm4b:s5+s28], $0x80, s13, s28, $0xb8;
	[tilespmem:$0x1D000] =	vst v63  }
0x26: {  	_ =	swait.ge [sflag:s30], $0x4000  }
0x27: {  	[sflag:s30] =	ssyncset.done $0x0  }
0x28: {  	s14 =	simm.s32 $0x16800;
	[sflag:s30] =	ssyncadd.s32 $0xFFFFC000  }
0x29: {  	[spmem:s3] =	stream.indirect.scatter.add.f32 [tilespmem:s29], [sflag:$0x2], $0x80, s14, s28, $0xb8;
	[tilespmem:$0x1D000] =	vst v63  }
0x2a: {  	_ =	swait.ge [sflag:s24], $0x4000  }
0x2b: {  	s4 =	simm.s32 $0x400;
	s1 =	simm.s32 $0x80;
	[sflag:s24] =	ssyncset.done $0x0  }
.LBB2_2:
0x2c: {  	s10 =	sadd.s32 $0x14000, s1  }
0x2d: {  	[sflag:s24] =	ssyncadd.s32 $0xFFFFC000;
	s11 =	smov.u32 s4;
	s12 =	sadd.s32 $0x200, s4  }
0x2e: {  	[tilespmem:s29], [sflag:$0x1] =	stream.indirect.gather [hbm4b:s5+s28], $0x80, s10, s28, $0xb8;
	[tilespmem:$0x1D000] =	vst v63  }
0x2f: {  	p1 =	sne.s32 s4, $0x9E00;
	_ =	swait.ge [sflag:s30], $0x4000  }
.Ltmp0:
0x30: {  	[sflag:s30] =	ssyncset.done $0x0;
	(pc) =	sbr.rel @p1 .LBB2_2-.Ltmp0, $4  }
0x31: {  	s1 =	sadd.s32 $0x16800, s1;
	[sflag:s30] =	ssyncadd.s32 $0xFFFFC000  }
0x32: {  	[spmem:s3] =	stream.indirect.scatter.add.f32 [tilespmem:s29], [sflag:$0x2], $0x80, s1, s28, $0xb8;
	[tilespmem:$0x1D000] =	vst v63  }
0x33: {  	_ =	swait.ge [sflag:s24], $0x4000  }
0x34: {  	s4 =	smov.u32 s12;
	s1 =	sshra.s32 s11, $0x2;
	[sflag:s24] =	ssyncset.done $0x0  }
0x35: {  	s4 =	sadd.s32 $0x14000, s1;
	[sflag:s24] =	ssyncadd.s32 $0xFFFFC000  }
0x36: {  	[tilespmem:s29], [sflag:$0x1] =	stream.indirect.gather [hbm4b:s5+s28], $0x80, s4, s28, $0xb8;
	[tilespmem:$0x1D000] =	vst v63  }
0x37: {  	_ =	swait.ge [sflag:s30], $0x4000  }
0x38: {  	[sflag:s30] =	ssyncset.done $0x0  }
0x39: {  	s11 =	sadd.s32 $0x16800, s1;
	[sflag:s30] =	ssyncadd.s32 $0xFFFFC000  }
0x3a: {  	[spmem:s3] =	stream.indirect.scatter.add.f32 [tilespmem:s29], [sflag:$0x2], $0x80, s11, s28, $0xb8;
	[tilespmem:$0x1D000] =	vst v63  }
0x3b: {  	_ =	swait.ge [sflag:s24], $0x4000  }
0x3c: {  	[sflag:s24] =	ssyncset.done $0x0  }
0x3d: {  	[sflag:s24] =	ssyncadd.s32 $0xFFFFC000  }
0x3e: {  	[bflag:$0x0] =	sbarrier.arrive $0xFFFF  }
0x3f: {  	s1 =	rddreg [dreg:$0x8]  }
0x40: {  	s4 =	rddreg [dreg:$0x7];
	s1 =	sshrl.u32 @p0 s1, $0x3  }
0x41: {  	[hbm:s4], [sflag:s9] =	dma.local @p0 [spmem:s1], $0x1900  }
0x42: {  	s4 =	simm.s32 @p0 $0x2  }
0x43: {  	_ =	swait.ge @p0 [sflag:s4], $0x1900  }
0x44: {  	[sflag:s4] =	ssyncset.done @p0 $0x0  }
0x45: {  	s10 =	rddreg [dreg:$0x6];
	[sflag:s4] =	ssyncadd.s32 @p0 $0xFFFFE700;
	s4 =	sshrl.u32 @!p0 s8, $0x3  }
0x46: {  	[hbm:s10], [sflag:s9] =	dma.local @!p0 [spmem:s4], $0x2800  }
0x47: {  	s10 =	simm.s32 @!p0 $0x2  }
0x48: {  	_ =	swait.ge @!p0 [sflag:s10], $0x2800  }
0x49: {  	[sflag:s10] =	ssyncset.done @!p0 $0x0  }
0x4a: {  	[sflag:s10] =	ssyncadd.s32 @!p0 $0xFFFFD800  }
0x4b: {  	[spmem:s0], [sflag:s9] =	dma.local [hbm:s2], $0x2800  }
0x4c: {  	_ =	swait.ge [sflag:s24], $0x2800  }
0x4d: {  	[sflag:s24] =	ssyncset.done $0x0  }
0x4e: {  	[sflag:s24] =	ssyncadd.s32 $0xFFFFD800  }
0x4f: {  	s12 =	simm.s32 $0x0;
	[bflag:$0x0] =	sbarrier.arrive $0xFFFF  }
0x50: {  	[tilespmem:s25], [sflag:$0x2] =	stream.linear.gather [hbm4b:s15+s12], $0x2800, $0x38;
	[tilespmem:$0x1D000] =	vst v63  }
0x51: {  	_ =	swait.ge [sflag:s24], $0x2800  }
0x52: {  	[sflag:s24] =	ssyncset.done $0x0  }
0x53: {  	[sflag:s24] =	ssyncadd.s32 $0xFFFFD800  }
0x54: {  	[tilespmem:s26], [sflag:$0x2] =	stream.linear.gather [hbm4b:s16+s12], $0x2800, $0x38;
	[tilespmem:$0x1D000] =	vst v63  }
0x55: {  	_ =	swait.ge [sflag:s24], $0x2800  }
0x56: {  	[sflag:s24] =	ssyncset.done $0x0  }
0x57: {  	s13 =	simm.s32 $0x14000;
	[sflag:s24] =	ssyncadd.s32 $0xFFFFD800  }
0x58: {  	[tilespmem:s29], [sflag:$0x1] =	stream.indirect.gather [hbm4b:s6+s28], $0x80, s13, s28, $0xb8;
	[tilespmem:$0x1D000] =	vst v63  }
0x59: {  	_ =	swait.ge [sflag:s30], $0x4000  }
0x5a: {  	[sflag:s30] =	ssyncset.done $0x0  }
0x5b: {  	s14 =	simm.s32 $0x16800;
	[sflag:s30] =	ssyncadd.s32 $0xFFFFC000  }
0x5c: {  	[spmem:s3] =	stream.indirect.scatter.add.f32 [tilespmem:s29], [sflag:$0x2], $0x80, s14, s28, $0xb8;
	[tilespmem:$0x1D000] =	vst v63  }
0x5d: {  	_ =	swait.ge [sflag:s24], $0x4000  }
0x5e: {  	s11 =	simm.s32 $0x400;
	s10 =	simm.s32 $0x80;
	[sflag:s24] =	ssyncset.done $0x0  }
.LBB2_4:
0x5f: {  	s12 =	sadd.s32 $0x14000, s10  }
0x60: {  	[sflag:s24] =	ssyncadd.s32 $0xFFFFC000;
	s13 =	smov.u32 s11;
	s14 =	sadd.s32 $0x200, s11  }
0x61: {  	[tilespmem:s29], [sflag:$0x1] =	stream.indirect.gather [hbm4b:s6+s28], $0x80, s12, s28, $0xb8;
	[tilespmem:$0x1D000] =	vst v63  }
0x62: {  	p1 =	sne.s32 s11, $0x9E00;
	_ =	swait.ge [sflag:s30], $0x4000  }
.Ltmp1:
0x63: {  	[sflag:s30] =	ssyncset.done $0x0;
	(pc) =	sbr.rel @p1 .LBB2_4-.Ltmp1, $4  }
0x64: {  	s10 =	sadd.s32 $0x16800, s10;
	[sflag:s30] =	ssyncadd.s32 $0xFFFFC000  }
0x65: {  	[spmem:s3] =	stream.indirect.scatter.add.f32 [tilespmem:s29], [sflag:$0x2], $0x80, s10, s28, $0xb8;
	[tilespmem:$0x1D000] =	vst v63  }
0x66: {  	_ =	swait.ge [sflag:s24], $0x4000  }
0x67: {  	s11 =	smov.u32 s14;
	s10 =	sshra.s32 s13, $0x2;
	[sflag:s24] =	ssyncset.done $0x0  }
0x68: {  	s11 =	sadd.s32 $0x14000, s10;
	[sflag:s24] =	ssyncadd.s32 $0xFFFFC000  }
0x69: {  	[tilespmem:s29], [sflag:$0x1] =	stream.indirect.gather [hbm4b:s6+s28], $0x80, s11, s28, $0xb8;
	[tilespmem:$0x1D000] =	vst v63  }
0x6a: {  	_ =	swait.ge [sflag:s30], $0x4000  }
0x6b: {  	[sflag:s30] =	ssyncset.done $0x0  }
0x6c: {  	s11 =	sadd.s32 $0x16800, s10;
	[sflag:s30] =	ssyncadd.s32 $0xFFFFC000  }
0x6d: {  	[spmem:s3] =	stream.indirect.scatter.add.f32 [tilespmem:s29], [sflag:$0x2], $0x80, s11, s28, $0xb8;
	[tilespmem:$0x1D000] =	vst v63  }
0x6e: {  	_ =	swait.ge [sflag:s24], $0x4000  }
0x6f: {  	[sflag:s24] =	ssyncset.done $0x0  }
0x70: {  	[sflag:s24] =	ssyncadd.s32 $0xFFFFC000  }
0x71: {  	s10 =	simm.s32 @p0 $0x2;
	[bflag:$0x0] =	sbarrier.arrive $0xFFFF  }
0x72: {  	[hbm:s18], [sflag:s9] =	dma.local @p0 [spmem:s1], $0x1900  }
0x73: {  	_ =	swait.ge @p0 [sflag:s10], $0x1900  }
0x74: {  	[sflag:s10] =	ssyncset.done @p0 $0x0  }
0x75: {  	[sflag:s10] =	ssyncadd.s32 @p0 $0xFFFFE700;
	s10 =	simm.s32 @!p0 $0x2  }
0x76: {  	[hbm:s17], [sflag:s9] =	dma.local @!p0 [spmem:s4], $0x2800  }
0x77: {  	_ =	swait.ge @!p0 [sflag:s10], $0x2800  }
0x78: {  	[sflag:s10] =	ssyncset.done @!p0 $0x0  }
0x79: {  	[sflag:s10] =	ssyncadd.s32 @!p0 $0xFFFFD800  }
0x7a: {  	[spmem:s0], [sflag:s9] =	dma.local [hbm:s2], $0x2800  }
0x7b: {  	_ =	swait.ge [sflag:s24], $0x2800  }
0x7c: {  	[sflag:s24] =	ssyncset.done $0x0  }
0x7d: {  	[sflag:s24] =	ssyncadd.s32 $0xFFFFD800  }
0x7e: {  	s12 =	simm.s32 $0x0;
	[bflag:$0x0] =	sbarrier.arrive $0xFFFF  }
0x7f: {  	[tilespmem:s25], [sflag:$0x2] =	stream.linear.gather [hbm4b:s19+s12], $0x2800, $0x38;
	[tilespmem:$0x1D000] =	vst v63  }
0x80: {  	_ =	swait.ge [sflag:s24], $0x2800  }
0x81: {  	[sflag:s24] =	ssyncset.done $0x0  }
0x82: {  	[sflag:s24] =	ssyncadd.s32 $0xFFFFD800  }
0x83: {  	[tilespmem:s26], [sflag:$0x2] =	stream.linear.gather [hbm4b:s20+s12], $0x2800, $0x38;
	[tilespmem:$0x1D000] =	vst v63  }
0x84: {  	_ =	swait.ge [sflag:s24], $0x2800  }
0x85: {  	[sflag:s24] =	ssyncset.done $0x0  }
0x86: {  	s13 =	simm.s32 $0x14000;
	[sflag:s24] =	ssyncadd.s32 $0xFFFFD800  }
0x87: {  	[tilespmem:s29], [sflag:$0x1] =	stream.indirect.gather [hbm4b:s7+s28], $0x80, s13, s28, $0xb8;
	[tilespmem:$0x1D000] =	vst v63  }
0x88: {  	_ =	swait.ge [sflag:s30], $0x4000  }
0x89: {  	[sflag:s30] =	ssyncset.done $0x0  }
0x8a: {  	s14 =	simm.s32 $0x16800;
	[sflag:s30] =	ssyncadd.s32 $0xFFFFC000  }
0x8b: {  	[spmem:s3] =	stream.indirect.scatter.add.f32 [tilespmem:s29], [sflag:$0x2], $0x80, s14, s28, $0xb8;
	[tilespmem:$0x1D000] =	vst v63  }
0x8c: {  	_ =	swait.ge [sflag:s24], $0x4000  }
0x8d: {  	s10 =	simm.s32 $0x400;
	s0 =	simm.s32 $0x80;
	[sflag:s24] =	ssyncset.done $0x0  }
.LBB2_6:
0x8e: {  	s11 =	sadd.s32 $0x14000, s0  }
0x8f: {  	[sflag:s24] =	ssyncadd.s32 $0xFFFFC000;
	s12 =	smov.u32 s10;
	s13 =	sadd.s32 $0x200, s10  }
0x90: {  	[tilespmem:s29], [sflag:$0x1] =	stream.indirect.gather [hbm4b:s7+s28], $0x80, s11, s28, $0xb8;
	[tilespmem:$0x1D000] =	vst v63  }
0x91: {  	p1 =	sne.s32 s10, $0x9E00;
	_ =	swait.ge [sflag:s30], $0x4000  }
.Ltmp2:
0x92: {  	[sflag:s30] =	ssyncset.done $0x0;
	(pc) =	sbr.rel @p1 .LBB2_6-.Ltmp2, $4  }
0x93: {  	s0 =	sadd.s32 $0x16800, s0;
	[sflag:s30] =	ssyncadd.s32 $0xFFFFC000  }
0x94: {  	[spmem:s3] =	stream.indirect.scatter.add.f32 [tilespmem:s29], [sflag:$0x2], $0x80, s0, s28, $0xb8;
	[tilespmem:$0x1D000] =	vst v63  }
0x95: {  	_ =	swait.ge [sflag:s24], $0x4000  }
0x96: {  	s10 =	smov.u32 s13;
	s0 =	sshra.s32 s12, $0x2;
	[sflag:s24] =	ssyncset.done $0x0  }
0x97: {  	s10 =	sadd.s32 $0x14000, s0;
	[sflag:s24] =	ssyncadd.s32 $0xFFFFC000  }
0x98: {  	[tilespmem:s29], [sflag:$0x1] =	stream.indirect.gather [hbm4b:s7+s28], $0x80, s10, s28, $0xb8;
	[tilespmem:$0x1D000] =	vst v63  }
0x99: {  	_ =	swait.ge [sflag:s30], $0x4000  }
0x9a: {  	[sflag:s30] =	ssyncset.done $0x0  }
0x9b: {  	s14 =	sadd.s32 $0x16800, s0;
	[sflag:s30] =	ssyncadd.s32 $0xFFFFC000  }
0x9c: {  	[spmem:s3] =	stream.indirect.scatter.add.f32 [tilespmem:s29], [sflag:$0x2], $0x80, s14, s28, $0xb8;
	[tilespmem:$0x1D000] =	vst v63  }
0x9d: {  	_ =	swait.ge [sflag:s24], $0x4000  }
0x9e: {  	[sflag:s24] =	ssyncset.done $0x0  }
0x9f: {  	[sflag:s24] =	ssyncadd.s32 $0xFFFFC000  }
0xa0: {  	s0 =	simm.s32 @p0 $0x2;
	[bflag:$0x0] =	sbarrier.arrive $0xFFFF  }
0xa1: {  	[hbm:s22], [sflag:s9] =	dma.local @p0 [spmem:s1], $0x1900  }
0xa2: {  	s31 =	sadd.s32 $0x1, s31;
	_ =	swait.ge @p0 [sflag:s0], $0x1900  }
0xa3: {  	p1 =	sne.s32 s31, s23;
	[sflag:s0] =	ssyncset.done @p0 $0x0  }
.Ltmp3:
0xa4: {  	[sflag:s0] =	ssyncadd.s32 @p0 $0xFFFFE700;
	s0 =	simm.s32 @!p0 $0x2;
	(pc) =	sbr.rel @p1 .LBB2_1-.Ltmp3, $4  }
0xa5: {  	[hbm:s21], [sflag:s9] =	dma.local @!p0 [spmem:s4], $0x2800  }
0xa6: {  	_ =	swait.ge @!p0 [sflag:s0], $0x2800  }
0xa7: {  	[sflag:s0] =	ssyncset.done @!p0 $0x0  }
0xa8: {  	[sflag:s0] =	ssyncadd.s32 @!p0 $0xFFFFD800  }
0xa9: {  	_ =	sfence.sel $0x180000  }
0xaa: {  	[bflag:$0x0] =	sbarrier.arrive $0xFFFF  }
0xab: {  	_ =	strace $0x90000047  }
0xac: {  	s0 =	stileid.u32;
	[bflag:$0x2] =	sbarrier.arrive $0xFFFF  }
0xad: {  	p0 =	sne.s32 s0, $0x0;
	s0 =	rddreg [dreg:$0x3]  }
0xae: {  	s0 =	sadd.s32 @!p0 $0x100000, s0  }
0xaf: {  	[sflag:s0] =	ssyncadd.tile.s32 @!p0 $0x1;
	_ =	shalt  }
.Lfunc_end2:
_tile_overlayer_lowered:
.L_overlay_start_2:
0xb0: {  	(tag) =	ssettag $0x2  }
0xb1: {  	s0 =	rddreg [dreg:$0x0];
	s2 =	stileid.u32  }
0xb2: {  	s1 =	rddreg [dreg:$0x1];
	p0 =	sne.s32 s2, $0x0  }
0xb3: {  	s3 =	rddreg [dreg:$0x2];
	[bflag:$0x3] =	sbarrier.arrive $0xFFFF;
	s2 =	simm.s32 @!p0 $0x1C02  }
0xb4: {  	[timem:s3], [sflag:s2] =	dma.local @!p0 [hbm:s0], s1  }
0xb5: {  	s0 =	simm.s32 @!p0 $0x2  }
0xb6: {  	_ =	swait.ge @!p0 [sflag:s0], s1  }
0xb7: {  	s1 =	ssub.s32 @!p0 $0x0, s1;
	[sflag:s0] =	ssyncset.done @!p0 $0x0  }
0xb8: {  	[sflag:s0] =	ssyncadd.s32 @!p0 s1  }
0xb9: {  	[bflag:$0x3] =	sbarrier.arrive $0xFFFF  }
0xba: {  	_ =	shalt  }

</sc_bundles>
